<compile_context>
chip_gen: v7x
topology: tpu7x:2x2x1
jax: 0.10.2.dev20260603
libtpu: 0.0.44.dev20260713+nightly
codegen_flags: <defaults>
</compile_context>

<pallas_src>
import functools

import jax
import jax.numpy as jnp
from jax import lax
from jax.experimental import pallas as pl
from jax.experimental.pallas import tpu as pltpu
from jax.experimental.pallas import tpu_sc as plsc


def _make_gather(V, D, B):
    info = plsc.get_sparse_core_info()
    NC, NS = info.num_cores, info.num_subcores
    NW = NC * NS
    assert B % NW == 0
    b_per_w = B // NW
    C = 8
    NB = 8
    n_chunks = b_per_w // C
    assert n_chunks % NB == 0

    mesh = plsc.VectorSubcoreMesh(core_axis_name="c", subcore_axis_name="s")

    @functools.partial(
        pl.kernel,
        out_type=jax.ShapeDtypeStruct((B, D), jnp.float32),
        mesh=mesh,
        scratch_types=[
            pltpu.VMEM((b_per_w,), jnp.int32),
            *[pltpu.VMEM((C, D), jnp.float32) for _ in range(NB)],
            *[pltpu.SemaphoreType.DMA for _ in range(2 * NB)],
        ],
    )
    def gather_kernel(table_hbm, idx_hbm, out_hbm, idx_v, *bufs_and_sems):
        bufs = bufs_and_sems[:NB]
        gsem = bufs_and_sems[NB : 2 * NB]
        wsem = bufs_and_sems[2 * NB :]
        wid = lax.axis_index("s") * NC + lax.axis_index("c")
        base = wid * b_per_w
        pltpu.sync_copy(idx_hbm.at[pl.ds(base, b_per_w)], idx_v)

        def rd_issue(g, b):
            pltpu.async_copy(
                table_hbm.at[idx_v.at[pl.ds(g * C, C)]], bufs[b], gsem[b]
            )

        def rd_wait(b):
            pltpu.make_async_copy(
                table_hbm.at[pl.ds(0, C)], bufs[b], gsem[b]
            ).wait()

        def wr_issue(g, b):
            pltpu.async_copy(
                bufs[b], out_hbm.at[pl.ds(base + g * C, C)], wsem[b]
            )

        def wr_wait(b):
            pltpu.make_async_copy(
                bufs[b], out_hbm.at[pl.ds(base, C)], wsem[b]
            ).wait()

        for g in range(NB - 1):
            rd_issue(g, g)
        rd_wait(0)
        wr_issue(0, 0)
        rd_issue(NB - 1, NB - 1)
        for g in range(1, NB):
            rd_wait(g % NB)
            wr_issue(g, g % NB)
            wr_wait((g - 1) % NB)
            rd_issue(g + NB - 1, (g + NB - 1) % NB)

        @pl.loop(1, n_chunks // NB - 1)
        def _steady(k):
            for b in range(NB):
                g = NB * k + b
                rd_wait(b)
                wr_issue(g, b)
                wr_wait((b - 1) % NB)
                rd_issue(g + NB - 1, (b + NB - 1) % NB)

        g0 = n_chunks - NB
        rd_wait(g0 % NB)
        wr_issue(g0, g0 % NB)
        wr_wait((g0 - 1) % NB)
        rd_issue(n_chunks - 1, (n_chunks - 1) % NB)
        for g in range(g0 + 1, n_chunks):
            rd_wait(g % NB)
            wr_issue(g, g % NB)
            wr_wait((g - 1) % NB)
        wr_wait((n_chunks - 1) % NB)

    return gather_kernel


def kernel(positional_encoding, t):
    V, D = positional_encoding.shape
    (B,) = t.shape
    gather = _make_gather(V, D, B)
    return gather(positional_encoding, t.astype(jnp.int32))

# --- scband reference (transcript-rebuilt; emitter-appended) ---
"""Pipeline reference for scband-sinusoidal-positional-encoding-35055523070701 (READ-ONLY COPY).

The authoritative reference and input builder live on the scoring server;
editing this copy changes nothing except your own understanding.
"""

import math
import jax, jax.numpy as jnp
import numpy as np

MAX_LENGTH = 8192
N_BASE = 10000
D_MODEL = 1024
BATCH = 16384


def _build_pe():
    position = jnp.arange(MAX_LENGTH, dtype=jnp.float32)[:, None]
    div_term = jnp.exp(jnp.arange(0, D_MODEL, 2, dtype=jnp.float32) * -(math.log(N_BASE) / D_MODEL))
    pe = jnp.zeros((MAX_LENGTH, D_MODEL), dtype=jnp.float32)
    pe = pe.at[:, 0::2].set(jnp.sin(position * div_term))
    pe = pe.at[:, 1::2].set(jnp.cos(position * div_term))
    return pe


def setup_inputs(seed: int = 0) -> dict:
    key = jax.random.key(seed)
    t = jax.random.randint(key, (BATCH,), 0, MAX_LENGTH)
    positional_encoding = _build_pe()
    return {"positional_encoding": positional_encoding, "t": t}


def reference(positional_encoding, t):
    # SinusoidalPositionalEncoding.forward_timestep: pe[t, :]
    return jnp.take(positional_encoding, t, axis=0)

if __name__ == "__main__":
    import jax
    _d = setup_inputs()
    print(jax.jit(kernel)(*tuple(_d.values())))

</pallas_src>

<mosaic_0001>
#map = affine_map<(d0, d1) -> (0, 0)>
#map1 = affine_map<(d0, d1) -> (0)>
module attributes {stable_mosaic.version = 14 : i64} {
  func.func @gather_kernel(%arg0: i32, %arg1: i32, %arg2: memref<8192x1024xf32, #tpu.memory_space<hbm>>, %arg3: memref<16384xi32, #tpu.memory_space<hbm>>, %arg4: memref<16384x1024xf32, #tpu.memory_space<hbm>>, %arg5: memref<512xi32, #tpu.memory_space<vmem>>, %arg6: memref<8x1024xf32, #tpu.memory_space<vmem>>, %arg7: memref<8x1024xf32, #tpu.memory_space<vmem>>, %arg8: memref<8x1024xf32, #tpu.memory_space<vmem>>, %arg9: memref<8x1024xf32, #tpu.memory_space<vmem>>, %arg10: memref<8x1024xf32, #tpu.memory_space<vmem>>, %arg11: memref<8x1024xf32, #tpu.memory_space<vmem>>, %arg12: memref<8x1024xf32, #tpu.memory_space<vmem>>, %arg13: memref<8x1024xf32, #tpu.memory_space<vmem>>, %arg14: memref<!tpu.dma_semaphore, #tpu.memory_space<semaphore_mem>>, %arg15: memref<!tpu.dma_semaphore, #tpu.memory_space<semaphore_mem>>, %arg16: memref<!tpu.dma_semaphore, #tpu.memory_space<semaphore_mem>>, %arg17: memref<!tpu.dma_semaphore, #tpu.memory_space<semaphore_mem>>, %arg18: memref<!tpu.dma_semaphore, #tpu.memory_space<semaphore_mem>>, %arg19: memref<!tpu.dma_semaphore, #tpu.memory_space<semaphore_mem>>, %arg20: memref<!tpu.dma_semaphore, #tpu.memory_space<semaphore_mem>>, %arg21: memref<!tpu.dma_semaphore, #tpu.memory_space<semaphore_mem>>, %arg22: memref<!tpu.dma_semaphore, #tpu.memory_space<semaphore_mem>>, %arg23: memref<!tpu.dma_semaphore, #tpu.memory_space<semaphore_mem>>, %arg24: memref<!tpu.dma_semaphore, #tpu.memory_space<semaphore_mem>>, %arg25: memref<!tpu.dma_semaphore, #tpu.memory_space<semaphore_mem>>, %arg26: memref<!tpu.dma_semaphore, #tpu.memory_space<semaphore_mem>>, %arg27: memref<!tpu.dma_semaphore, #tpu.memory_space<semaphore_mem>>, %arg28: memref<!tpu.dma_semaphore, #tpu.memory_space<semaphore_mem>>, %arg29: memref<!tpu.dma_semaphore, #tpu.memory_space<semaphore_mem>>) attributes {dimension_semantics = [#tpu.dimension_semantics<core_parallel>, #tpu.dimension_semantics<subcore_parallel>], iteration_bounds = array<i64: 2, 16>, scalar_prefetch = 0 : i64, scratch_operands = 25 : i64, tpu.core_type = #tpu.core_type<sc_vector_subcore>, window_params = [{transform_indices = #map}, {transform_indices = #map1}, {transform_indices = #map}]} {
    %mul3A = arith.constant 2 : i32
    %mul3A_0 = arith.muli %arg1, %mul3A : i32
    %add3A = arith.addi %mul3A_0, %arg0 : i32
    %mul3A_1 = arith.constant 512 : i32
    %mul3A_2 = arith.muli %add3A, %mul3A_1 : i32
    "tpu.region"() ({
      %run_scoped3A = tpu.sem_alloc : memref<!tpu.dma_semaphore, #tpu.memory_space<semaphore_mem>>
      %dma_start3A_341 = tpu.memref_slice %arg3[%mul3A_2] : memref<16384xi32, #tpu.memory_space<hbm>> -> memref<512xi32, #tpu.memory_space<hbm>>
      %dma_start3A_342 = tpu.memref_slice %arg3[%mul3A_2] : memref<16384xi32, #tpu.memory_space<hbm>> -> memref<512xi32, #tpu.memory_space<hbm>>
      tpu.enqueue_dma source(%dma_start3A_342 : memref<512xi32, #tpu.memory_space<hbm>>) target(%arg5 : memref<512xi32, #tpu.memory_space<vmem>>) target_semaphore(%run_scoped3A : memref<!tpu.dma_semaphore, #tpu.memory_space<semaphore_mem>>)
      %dma_wait3A_343 = tpu.memref_slice %arg3[%mul3A_2] : memref<16384xi32, #tpu.memory_space<hbm>> -> memref<512xi32, #tpu.memory_space<hbm>>
      %dma_wait3A_344 = tpu.memref_slice %arg3[%mul3A_2] : memref<16384xi32, #tpu.memory_space<hbm>> -> memref<512xi32, #tpu.memory_space<hbm>>
      tpu.wait_dma2 semaphore(%run_scoped3A : memref<!tpu.dma_semaphore, #tpu.memory_space<semaphore_mem>>) src(%dma_wait3A_344 : memref<512xi32, #tpu.memory_space<hbm>>) dst(%arg5 : memref<512xi32, #tpu.memory_space<vmem>>)
      tpu.yield
    }) : () -> ()
    %dma_start3A = arith.constant 0 : i32
    %dma_start3A_3 = tpu.memref_slice %arg5[%dma_start3A] : memref<512xi32, #tpu.memory_space<vmem>> -> memref<8xi32, #tpu.memory_space<vmem>>
    %dma_start3A_4 = arith.constant 0 : i32
    %dma_start3A_5 = arith.constant 0 : i32
    %dma_start3A_6 = tpu.memref_slice %arg2[%dma_start3A_4, %dma_start3A_5] : memref<8192x1024xf32, #tpu.memory_space<hbm>> -> memref<8192x1024xf32, #tpu.memory_space<hbm>>
    tpu.enqueue_indirect_dma source(%dma_start3A_6 : memref<8192x1024xf32, #tpu.memory_space<hbm>>) target(%arg6 : memref<8x1024xf32, #tpu.memory_space<vmem>>) offsets(%dma_start3A_3 : memref<8xi32, #tpu.memory_space<vmem>>) semaphore(%arg14 : memref<!tpu.dma_semaphore, #tpu.memory_space<semaphore_mem>>)
    %dma_start3A_7 = arith.constant 8 : i32
    %dma_start3A_8 = tpu.memref_slice %arg5[%dma_start3A_7] : memref<512xi32, #tpu.memory_space<vmem>> -> memref<8xi32, #tpu.memory_space<vmem>>
    %dma_start3A_9 = arith.constant 0 : i32
    %dma_start3A_10 = arith.constant 0 : i32
    %dma_start3A_11 = tpu.memref_slice %arg2[%dma_start3A_9, %dma_start3A_10] : memref<8192x1024xf32, #tpu.memory_space<hbm>> -> memref<8192x1024xf32, #tpu.memory_space<hbm>>
    tpu.enqueue_indirect_dma source(%dma_start3A_11 : memref<8192x1024xf32, #tpu.memory_space<hbm>>) target(%arg7 : memref<8x1024xf32, #tpu.memory_space<vmem>>) offsets(%dma_start3A_8 : memref<8xi32, #tpu.memory_space<vmem>>) semaphore(%arg15 : memref<!tpu.dma_semaphore, #tpu.memory_space<semaphore_mem>>)
    %dma_start3A_12 = arith.constant 16 : i32
    %dma_start3A_13 = tpu.memref_slice %arg5[%dma_start3A_12] : memref<512xi32, #tpu.memory_space<vmem>> -> memref<8xi32, #tpu.memory_space<vmem>>
    %dma_start3A_14 = arith.constant 0 : i32
    %dma_start3A_15 = arith.constant 0 : i32
    %dma_start3A_16 = tpu.memref_slice %arg2[%dma_start3A_14, %dma_start3A_15] : memref<8192x1024xf32, #tpu.memory_space<hbm>> -> memref<8192x1024xf32, #tpu.memory_space<hbm>>
    tpu.enqueue_indirect_dma source(%dma_start3A_16 : memref<8192x1024xf32, #tpu.memory_space<hbm>>) target(%arg8 : memref<8x1024xf32, #tpu.memory_space<vmem>>) offsets(%dma_start3A_13 : memref<8xi32, #tpu.memory_space<vmem>>) semaphore(%arg16 : memref<!tpu.dma_semaphore, #tpu.memory_space<semaphore_mem>>)
    %dma_start3A_17 = arith.constant 24 : i32
    %dma_start3A_18 = tpu.memref_slice %arg5[%dma_start3A_17] : memref<512xi32, #tpu.memory_space<vmem>> -> memref<8xi32, #tpu.memory_space<vmem>>
    %dma_start3A_19 = arith.constant 0 : i32
    %dma_start3A_20 = arith.constant 0 : i32
    %dma_start3A_21 = tpu.memref_slice %arg2[%dma_start3A_19, %dma_start3A_20] : memref<8192x1024xf32, #tpu.memory_space<hbm>> -> memref<8192x1024xf32, #tpu.memory_space<hbm>>
    tpu.enqueue_indirect_dma source(%dma_start3A_21 : memref<8192x1024xf32, #tpu.memory_space<hbm>>) target(%arg9 : memref<8x1024xf32, #tpu.memory_space<vmem>>) offsets(%dma_start3A_18 : memref<8xi32, #tpu.memory_space<vmem>>) semaphore(%arg17 : memref<!tpu.dma_semaphore, #tpu.memory_space<semaphore_mem>>)
    %dma_start3A_22 = arith.constant 32 : i32
    %dma_start3A_23 = tpu.memref_slice %arg5[%dma_start3A_22] : memref<512xi32, #tpu.memory_space<vmem>> -> memref<8xi32, #tpu.memory_space<vmem>>
    %dma_start3A_24 = arith.constant 0 : i32
    %dma_start3A_25 = arith.constant 0 : i32
    %dma_start3A_26 = tpu.memref_slice %arg2[%dma_start3A_24, %dma_start3A_25] : memref<8192x1024xf32, #tpu.memory_space<hbm>> -> memref<8192x1024xf32, #tpu.memory_space<hbm>>
    tpu.enqueue_indirect_dma source(%dma_start3A_26 : memref<8192x1024xf32, #tpu.memory_space<hbm>>) target(%arg10 : memref<8x1024xf32, #tpu.memory_space<vmem>>) offsets(%dma_start3A_23 : memref<8xi32, #tpu.memory_space<vmem>>) semaphore(%arg18 : memref<!tpu.dma_semaphore, #tpu.memory_space<semaphore_mem>>)
    %dma_start3A_27 = arith.constant 40 : i32
    %dma_start3A_28 = tpu.memref_slice %arg5[%dma_start3A_27] : memref<512xi32, #tpu.memory_space<vmem>> -> memref<8xi32, #tpu.memory_space<vmem>>
    %dma_start3A_29 = arith.constant 0 : i32
    %dma_start3A_30 = arith.constant 0 : i32
    %dma_start3A_31 = tpu.memref_slice %arg2[%dma_start3A_29, %dma_start3A_30] : memref<8192x1024xf32, #tpu.memory_space<hbm>> -> memref<8192x1024xf32, #tpu.memory_space<hbm>>
    tpu.enqueue_indirect_dma source(%dma_start3A_31 : memref<8192x1024xf32, #tpu.memory_space<hbm>>) target(%arg11 : memref<8x1024xf32, #tpu.memory_space<vmem>>) offsets(%dma_start3A_28 : memref<8xi32, #tpu.memory_space<vmem>>) semaphore(%arg19 : memref<!tpu.dma_semaphore, #tpu.memory_space<semaphore_mem>>)
    %dma_start3A_32 = arith.constant 48 : i32
    %dma_start3A_33 = tpu.memref_slice %arg5[%dma_start3A_32] : memref<512xi32, #tpu.memory_space<vmem>> -> memref<8xi32, #tpu.memory_space<vmem>>
    %dma_start3A_34 = arith.constant 0 : i32
    %dma_start3A_35 = arith.constant 0 : i32
    %dma_start3A_36 = tpu.memref_slice %arg2[%dma_start3A_34, %dma_start3A_35] : memref<8192x1024xf32, #tpu.memory_space<hbm>> -> memref<8192x1024xf32, #tpu.memory_space<hbm>>
    tpu.enqueue_indirect_dma source(%dma_start3A_36 : memref<8192x1024xf32, #tpu.memory_space<hbm>>) target(%arg12 : memref<8x1024xf32, #tpu.memory_space<vmem>>) offsets(%dma_start3A_33 : memref<8xi32, #tpu.memory_space<vmem>>) semaphore(%arg20 : memref<!tpu.dma_semaphore, #tpu.memory_space<semaphore_mem>>)
    %dma_wait3A = arith.constant 0 : i32
    %dma_wait3A_37 = arith.constant 0 : i32
    %dma_wait3A_38 = tpu.memref_slice %arg2[%dma_wait3A, %dma_wait3A_37] : memref<8192x1024xf32, #tpu.memory_space<hbm>> -> memref<8x1024xf32, #tpu.memory_space<hbm>>
    %dma_wait3A_39 = arith.constant 0 : i32
    %dma_wait3A_40 = arith.constant 0 : i32
    %dma_wait3A_41 = tpu.memref_slice %arg2[%dma_wait3A_39, %dma_wait3A_40] : memref<8192x1024xf32, #tpu.memory_space<hbm>> -> memref<8x1024xf32, #tpu.memory_space<hbm>>
    tpu.wait_dma2 semaphore(%arg14 : memref<!tpu.dma_semaphore, #tpu.memory_space<semaphore_mem>>) src(%dma_wait3A_41 : memref<8x1024xf32, #tpu.memory_space<hbm>>) dst(%arg6 : memref<8x1024xf32, #tpu.memory_space<vmem>>)
    %add3A_42 = arith.constant 0 : i32
    %add3A_43 = arith.addi %mul3A_2, %add3A_42 : i32
    %dma_start3A_44 = arith.constant 0 : i32
    %dma_start3A_45 = tpu.memref_slice %arg4[%add3A_43, %dma_start3A_44] : memref<16384x1024xf32, #tpu.memory_space<hbm>> -> memref<8x1024xf32, #tpu.memory_space<hbm>>
    %dma_start3A_46 = arith.constant 0 : i32
    %dma_start3A_47 = tpu.memref_slice %arg4[%add3A_43, %dma_start3A_46] : memref<16384x1024xf32, #tpu.memory_space<hbm>> -> memref<8x1024xf32, #tpu.memory_space<hbm>>
    tpu.enqueue_dma source(%arg6 : memref<8x1024xf32, #tpu.memory_space<vmem>>) target(%dma_start3A_47 : memref<8x1024xf32, #tpu.memory_space<hbm>>) target_semaphore(%arg22 : memref<!tpu.dma_semaphore, #tpu.memory_space<semaphore_mem>>)
    %dma_start3A_48 = arith.constant 56 : i32
    %dma_start3A_49 = tpu.memref_slice %arg5[%dma_start3A_48] : memref<512xi32, #tpu.memory_space<vmem>> -> memref<8xi32, #tpu.memory_space<vmem>>
    %dma_start3A_50 = arith.constant 0 : i32
    %dma_start3A_51 = arith.constant 0 : i32
    %dma_start3A_52 = tpu.memref_slice %arg2[%dma_start3A_50, %dma_start3A_51] : memref<8192x1024xf32, #tpu.memory_space<hbm>> -> memref<8192x1024xf32, #tpu.memory_space<hbm>>
    tpu.enqueue_indirect_dma source(%dma_start3A_52 : memref<8192x1024xf32, #tpu.memory_space<hbm>>) target(%arg13 : memref<8x1024xf32, #tpu.memory_space<vmem>>) offsets(%dma_start3A_49 : memref<8xi32, #tpu.memory_space<vmem>>) semaphore(%arg21 : memref<!tpu.dma_semaphore, #tpu.memory_space<semaphore_mem>>)
    %dma_wait3A_53 = arith.constant 0 : i32
    %dma_wait3A_54 = arith.constant 0 : i32
    %dma_wait3A_55 = tpu.memref_slice %arg2[%dma_wait3A_53, %dma_wait3A_54] : memref<8192x1024xf32, #tpu.memory_space<hbm>> -> memref<8x1024xf32, #tpu.memory_space<hbm>>
    %dma_wait3A_56 = arith.constant 0 : i32
    %dma_wait3A_57 = arith.constant 0 : i32
    %dma_wait3A_58 = tpu.memref_slice %arg2[%dma_wait3A_56, %dma_wait3A_57] : memref<8192x1024xf32, #tpu.memory_space<hbm>> -> memref<8x1024xf32, #tpu.memory_space<hbm>>
    tpu.wait_dma2 semaphore(%arg15 : memref<!tpu.dma_semaphore, #tpu.memory_space<semaphore_mem>>) src(%dma_wait3A_58 : memref<8x1024xf32, #tpu.memory_space<hbm>>) dst(%arg7 : memref<8x1024xf32, #tpu.memory_space<vmem>>)
    %add3A_59 = arith.constant 8 : i32
    %add3A_60 = arith.addi %mul3A_2, %add3A_59 : i32
    %dma_start3A_61 = arith.constant 0 : i32
    %dma_start3A_62 = tpu.memref_slice %arg4[%add3A_60, %dma_start3A_61] : memref<16384x1024xf32, #tpu.memory_space<hbm>> -> memref<8x1024xf32, #tpu.memory_space<hbm>>
    %dma_start3A_63 = arith.constant 0 : i32
    %dma_start3A_64 = tpu.memref_slice %arg4[%add3A_60, %dma_start3A_63] : memref<16384x1024xf32, #tpu.memory_space<hbm>> -> memref<8x1024xf32, #tpu.memory_space<hbm>>
    tpu.enqueue_dma source(%arg7 : memref<8x1024xf32, #tpu.memory_space<vmem>>) target(%dma_start3A_64 : memref<8x1024xf32, #tpu.memory_space<hbm>>) target_semaphore(%arg23 : memref<!tpu.dma_semaphore, #tpu.memory_space<semaphore_mem>>)
    %dma_wait3A_65 = arith.constant 0 : i32
    %dma_wait3A_66 = tpu.memref_slice %arg4[%mul3A_2, %dma_wait3A_65] : memref<16384x1024xf32, #tpu.memory_space<hbm>> -> memref<8x1024xf32, #tpu.memory_space<hbm>>
    %dma_wait3A_67 = arith.constant 0 : i32
    %dma_wait3A_68 = tpu.memref_slice %arg4[%mul3A_2, %dma_wait3A_67] : memref<16384x1024xf32, #tpu.memory_space<hbm>> -> memref<8x1024xf32, #tpu.memory_space<hbm>>
    tpu.wait_dma2 semaphore(%arg22 : memref<!tpu.dma_semaphore, #tpu.memory_space<semaphore_mem>>) src(%arg6 : memref<8x1024xf32, #tpu.memory_space<vmem>>) dst(%dma_wait3A_68 : memref<8x1024xf32, #tpu.memory_space<hbm>>)
    %dma_start3A_69 = arith.constant 64 : i32
    %dma_start3A_70 = tpu.memref_slice %arg5[%dma_start3A_69] : memref<512xi32, #tpu.memory_space<vmem>> -> memref<8xi32, #tpu.memory_space<vmem>>
    %dma_start3A_71 = arith.constant 0 : i32
    %dma_start3A_72 = arith.constant 0 : i32
    %dma_start3A_73 = tpu.memref_slice %arg2[%dma_start3A_71, %dma_start3A_72] : memref<8192x1024xf32, #tpu.memory_space<hbm>> -> memref<8192x1024xf32, #tpu.memory_space<hbm>>
    tpu.enqueue_indirect_dma source(%dma_start3A_73 : memref<8192x1024xf32, #tpu.memory_space<hbm>>) target(%arg6 : memref<8x1024xf32, #tpu.memory_space<vmem>>) offsets(%dma_start3A_70 : memref<8xi32, #tpu.memory_space<vmem>>) semaphore(%arg14 : memref<!tpu.dma_semaphore, #tpu.memory_space<semaphore_mem>>)
    %dma_wait3A_74 = arith.constant 0 : i32
    %dma_wait3A_75 = arith.constant 0 : i32
    %dma_wait3A_76 = tpu.memref_slice %arg2[%dma_wait3A_74, %dma_wait3A_75] : memref<8192x1024xf32, #tpu.memory_space<hbm>> -> memref<8x1024xf32, #tpu.memory_space<hbm>>
    %dma_wait3A_77 = arith.constant 0 : i32
    %dma_wait3A_78 = arith.constant 0 : i32
    %dma_wait3A_79 = tpu.memref_slice %arg2[%dma_wait3A_77, %dma_wait3A_78] : memref<8192x1024xf32, #tpu.memory_space<hbm>> -> memref<8x1024xf32, #tpu.memory_space<hbm>>
    tpu.wait_dma2 semaphore(%arg16 : memref<!tpu.dma_semaphore, #tpu.memory_space<semaphore_mem>>) src(%dma_wait3A_79 : memref<8x1024xf32, #tpu.memory_space<hbm>>) dst(%arg8 : memref<8x1024xf32, #tpu.memory_space<vmem>>)
    %add3A_80 = arith.constant 16 : i32
    %add3A_81 = arith.addi %mul3A_2, %add3A_80 : i32
    %dma_start3A_82 = arith.constant 0 : i32
    %dma_start3A_83 = tpu.memref_slice %arg4[%add3A_81, %dma_start3A_82] : memref<16384x1024xf32, #tpu.memory_space<hbm>> -> memref<8x1024xf32, #tpu.memory_space<hbm>>
    %dma_start3A_84 = arith.constant 0 : i32
    %dma_start3A_85 = tpu.memref_slice %arg4[%add3A_81, %dma_start3A_84] : memref<16384x1024xf32, #tpu.memory_space<hbm>> -> memref<8x1024xf32, #tpu.memory_space<hbm>>
    tpu.enqueue_dma source(%arg8 : memref<8x1024xf32, #tpu.memory_space<vmem>>) target(%dma_start3A_85 : memref<8x1024xf32, #tpu.memory_space<hbm>>) target_semaphore(%arg24 : memref<!tpu.dma_semaphore, #tpu.memory_space<semaphore_mem>>)
    %dma_wait3A_86 = arith.constant 0 : i32
    %dma_wait3A_87 = tpu.memref_slice %arg4[%mul3A_2, %dma_wait3A_86] : memref<16384x1024xf32, #tpu.memory_space<hbm>> -> memref<8x1024xf32, #tpu.memory_space<hbm>>
    %dma_wait3A_88 = arith.constant 0 : i32
    %dma_wait3A_89 = tpu.memref_slice %arg4[%mul3A_2, %dma_wait3A_88] : memref<16384x1024xf32, #tpu.memory_space<hbm>> -> memref<8x1024xf32, #tpu.memory_space<hbm>>
    tpu.wait_dma2 semaphore(%arg23 : memref<!tpu.dma_semaphore, #tpu.memory_space<semaphore_mem>>) src(%arg7 : memref<8x1024xf32, #tpu.memory_space<vmem>>) dst(%dma_wait3A_89 : memref<8x1024xf32, #tpu.memory_space<hbm>>)
    %dma_start3A_90 = arith.constant 72 : i32
    %dma_start3A_91 = tpu.memref_slice %arg5[%dma_start3A_90] : memref<512xi32, #tpu.memory_space<vmem>> -> memref<8xi32, #tpu.memory_space<vmem>>
    %dma_start3A_92 = arith.constant 0 : i32
    %dma_start3A_93 = arith.constant 0 : i32
    %dma_start3A_94 = tpu.memref_slice %arg2[%dma_start3A_92, %dma_start3A_93] : memref<8192x1024xf32, #tpu.memory_space<hbm>> -> memref<8192x1024xf32, #tpu.memory_space<hbm>>
    tpu.enqueue_indirect_dma source(%dma_start3A_94 : memref<8192x1024xf32, #tpu.memory_space<hbm>>) target(%arg7 : memref<8x1024xf32, #tpu.memory_space<vmem>>) offsets(%dma_start3A_91 : memref<8xi32, #tpu.memory_space<vmem>>) semaphore(%arg15 : memref<!tpu.dma_semaphore, #tpu.memory_space<semaphore_mem>>)
    %dma_wait3A_95 = arith.constant 0 : i32
    %dma_wait3A_96 = arith.constant 0 : i32
    %dma_wait3A_97 = tpu.memref_slice %arg2[%dma_wait3A_95, %dma_wait3A_96] : memref<8192x1024xf32, #tpu.memory_space<hbm>> -> memref<8x1024xf32, #tpu.memory_space<hbm>>
    %dma_wait3A_98 = arith.constant 0 : i32
    %dma_wait3A_99 = arith.constant 0 : i32
    %dma_wait3A_100 = tpu.memref_slice %arg2[%dma_wait3A_98, %dma_wait3A_99] : memref<8192x1024xf32, #tpu.memory_space<hbm>> -> memref<8x1024xf32, #tpu.memory_space<hbm>>
    tpu.wait_dma2 semaphore(%arg17 : memref<!tpu.dma_semaphore, #tpu.memory_space<semaphore_mem>>) src(%dma_wait3A_100 : memref<8x1024xf32, #tpu.memory_space<hbm>>) dst(%arg9 : memref<8x1024xf32, #tpu.memory_space<vmem>>)
    %add3A_101 = arith.constant 24 : i32
    %add3A_102 = arith.addi %mul3A_2, %add3A_101 : i32
    %dma_start3A_103 = arith.constant 0 : i32
    %dma_start3A_104 = tpu.memref_slice %arg4[%add3A_102, %dma_start3A_103] : memref<16384x1024xf32, #tpu.memory_space<hbm>> -> memref<8x1024xf32, #tpu.memory_space<hbm>>
    %dma_start3A_105 = arith.constant 0 : i32
    %dma_start3A_106 = tpu.memref_slice %arg4[%add3A_102, %dma_start3A_105] : memref<16384x1024xf32, #tpu.memory_space<hbm>> -> memref<8x1024xf32, #tpu.memory_space<hbm>>
    tpu.enqueue_dma source(%arg9 : memref<8x1024xf32, #tpu.memory_space<vmem>>) target(%dma_start3A_106 : memref<8x1024xf32, #tpu.memory_space<hbm>>) target_semaphore(%arg25 : memref<!tpu.dma_semaphore, #tpu.memory_space<semaphore_mem>>)
    %dma_wait3A_107 = arith.constant 0 : i32
    %dma_wait3A_108 = tpu.memref_slice %arg4[%mul3A_2, %dma_wait3A_107] : memref<16384x1024xf32, #tpu.memory_space<hbm>> -> memref<8x1024xf32, #tpu.memory_space<hbm>>
    %dma_wait3A_109 = arith.constant 0 : i32
    %dma_wait3A_110 = tpu.memref_slice %arg4[%mul3A_2, %dma_wait3A_109] : memref<16384x1024xf32, #tpu.memory_space<hbm>> -> memref<8x1024xf32, #tpu.memory_space<hbm>>
    tpu.wait_dma2 semaphore(%arg24 : memref<!tpu.dma_semaphore, #tpu.memory_space<semaphore_mem>>) src(%arg8 : memref<8x1024xf32, #tpu.memory_space<vmem>>) dst(%dma_wait3A_110 : memref<8x1024xf32, #tpu.memory_space<hbm>>)
    %dma_start3A_111 = arith.constant 80 : i32
    %dma_start3A_112 = tpu.memref_slice %arg5[%dma_start3A_111] : memref<512xi32, #tpu.memory_space<vmem>> -> memref<8xi32, #tpu.memory_space<vmem>>
    %dma_start3A_113 = arith.constant 0 : i32
    %dma_start3A_114 = arith.constant 0 : i32
    %dma_start3A_115 = tpu.memref_slice %arg2[%dma_start3A_113, %dma_start3A_114] : memref<8192x1024xf32, #tpu.memory_space<hbm>> -> memref<8192x1024xf32, #tpu.memory_space<hbm>>
    tpu.enqueue_indirect_dma source(%dma_start3A_115 : memref<8192x1024xf32, #tpu.memory_space<hbm>>) target(%arg8 : memref<8x1024xf32, #tpu.memory_space<vmem>>) offsets(%dma_start3A_112 : memref<8xi32, #tpu.memory_space<vmem>>) semaphore(%arg16 : memref<!tpu.dma_semaphore, #tpu.memory_space<semaphore_mem>>)
    %dma_wait3A_116 = arith.constant 0 : i32
    %dma_wait3A_117 = arith.constant 0 : i32
    %dma_wait3A_118 = tpu.memref_slice %arg2[%dma_wait3A_116, %dma_wait3A_117] : memref<8192x1024xf32, #tpu.memory_space<hbm>> -> memref<8x1024xf32, #tpu.memory_space<hbm>>
    %dma_wait3A_119 = arith.constant 0 : i32
    %dma_wait3A_120 = arith.constant 0 : i32
    %dma_wait3A_121 = tpu.memref_slice %arg2[%dma_wait3A_119, %dma_wait3A_120] : memref<8192x1024xf32, #tpu.memory_space<hbm>> -> memref<8x1024xf32, #tpu.memory_space<hbm>>
    tpu.wait_dma2 semaphore(%arg18 : memref<!tpu.dma_semaphore, #tpu.memory_space<semaphore_mem>>) src(%dma_wait3A_121 : memref<8x1024xf32, #tpu.memory_space<hbm>>) dst(%arg10 : memref<8x1024xf32, #tpu.memory_space<vmem>>)
    %add3A_122 = arith.constant 32 : i32
    %add3A_123 = arith.addi %mul3A_2, %add3A_122 : i32
    %dma_start3A_124 = arith.constant 0 : i32
    %dma_start3A_125 = tpu.memref_slice %arg4[%add3A_123, %dma_start3A_124] : memref<16384x1024xf32, #tpu.memory_space<hbm>> -> memref<8x1024xf32, #tpu.memory_space<hbm>>
    %dma_start3A_126 = arith.constant 0 : i32
    %dma_start3A_127 = tpu.memref_slice %arg4[%add3A_123, %dma_start3A_126] : memref<16384x1024xf32, #tpu.memory_space<hbm>> -> memref<8x1024xf32, #tpu.memory_space<hbm>>
    tpu.enqueue_dma source(%arg10 : memref<8x1024xf32, #tpu.memory_space<vmem>>) target(%dma_start3A_127 : memref<8x1024xf32, #tpu.memory_space<hbm>>) target_semaphore(%arg26 : memref<!tpu.dma_semaphore, #tpu.memory_space<semaphore_mem>>)
    %dma_wait3A_128 = arith.constant 0 : i32
    %dma_wait3A_129 = tpu.memref_slice %arg4[%mul3A_2, %dma_wait3A_128] : memref<16384x1024xf32, #tpu.memory_space<hbm>> -> memref<8x1024xf32, #tpu.memory_space<hbm>>
    %dma_wait3A_130 = arith.constant 0 : i32
    %dma_wait3A_131 = tpu.memref_slice %arg4[%mul3A_2, %dma_wait3A_130] : memref<16384x1024xf32, #tpu.memory_space<hbm>> -> memref<8x1024xf32, #tpu.memory_space<hbm>>
    tpu.wait_dma2 semaphore(%arg25 : memref<!tpu.dma_semaphore, #tpu.memory_space<semaphore_mem>>) src(%arg9 : memref<8x1024xf32, #tpu.memory_space<vmem>>) dst(%dma_wait3A_131 : memref<8x1024xf32, #tpu.memory_space<hbm>>)
    %dma_start3A_132 = arith.constant 88 : i32
    %dma_start3A_133 = tpu.memref_slice %arg5[%dma_start3A_132] : memref<512xi32, #tpu.memory_space<vmem>> -> memref<8xi32, #tpu.memory_space<vmem>>
    %dma_start3A_134 = arith.constant 0 : i32
    %dma_start3A_135 = arith.constant 0 : i32
    %dma_start3A_136 = tpu.memref_slice %arg2[%dma_start3A_134, %dma_start3A_135] : memref<8192x1024xf32, #tpu.memory_space<hbm>> -> memref<8192x1024xf32, #tpu.memory_space<hbm>>
    tpu.enqueue_indirect_dma source(%dma_start3A_136 : memref<8192x1024xf32, #tpu.memory_space<hbm>>) target(%arg9 : memref<8x1024xf32, #tpu.memory_space<vmem>>) offsets(%dma_start3A_133 : memref<8xi32, #tpu.memory_space<vmem>>) semaphore(%arg17 : memref<!tpu.dma_semaphore, #tpu.memory_space<semaphore_mem>>)
    %dma_wait3A_137 = arith.constant 0 : i32
    %dma_wait3A_138 = arith.constant 0 : i32
    %dma_wait3A_139 = tpu.memref_slice %arg2[%dma_wait3A_137, %dma_wait3A_138] : memref<8192x1024xf32, #tpu.memory_space<hbm>> -> memref<8x1024xf32, #tpu.memory_space<hbm>>
    %dma_wait3A_140 = arith.constant 0 : i32
    %dma_wait3A_141 = arith.constant 0 : i32
    %dma_wait3A_142 = tpu.memref_slice %arg2[%dma_wait3A_140, %dma_wait3A_141] : memref<8192x1024xf32, #tpu.memory_space<hbm>> -> memref<8x1024xf32, #tpu.memory_space<hbm>>
    tpu.wait_dma2 semaphore(%arg19 : memref<!tpu.dma_semaphore, #tpu.memory_space<semaphore_mem>>) src(%dma_wait3A_142 : memref<8x1024xf32, #tpu.memory_space<hbm>>) dst(%arg11 : memref<8x1024xf32, #tpu.memory_space<vmem>>)
    %add3A_143 = arith.constant 40 : i32
    %add3A_144 = arith.addi %mul3A_2, %add3A_143 : i32
    %dma_start3A_145 = arith.constant 0 : i32
    %dma_start3A_146 = tpu.memref_slice %arg4[%add3A_144, %dma_start3A_145] : memref<16384x1024xf32, #tpu.memory_space<hbm>> -> memref<8x1024xf32, #tpu.memory_space<hbm>>
    %dma_start3A_147 = arith.constant 0 : i32
    %dma_start3A_148 = tpu.memref_slice %arg4[%add3A_144, %dma_start3A_147] : memref<16384x1024xf32, #tpu.memory_space<hbm>> -> memref<8x1024xf32, #tpu.memory_space<hbm>>
    tpu.enqueue_dma source(%arg11 : memref<8x1024xf32, #tpu.memory_space<vmem>>) target(%dma_start3A_148 : memref<8x1024xf32, #tpu.memory_space<hbm>>) target_semaphore(%arg27 : memref<!tpu.dma_semaphore, #tpu.memory_space<semaphore_mem>>)
    %dma_wait3A_149 = arith.constant 0 : i32
    %dma_wait3A_150 = tpu.memref_slice %arg4[%mul3A_2, %dma_wait3A_149] : memref<16384x1024xf32, #tpu.memory_space<hbm>> -> memref<8x1024xf32, #tpu.memory_space<hbm>>
    %dma_wait3A_151 = arith.constant 0 : i32
    %dma_wait3A_152 = tpu.memref_slice %arg4[%mul3A_2, %dma_wait3A_151] : memref<16384x1024xf32, #tpu.memory_space<hbm>> -> memref<8x1024xf32, #tpu.memory_space<hbm>>
    tpu.wait_dma2 semaphore(%arg26 : memref<!tpu.dma_semaphore, #tpu.memory_space<semaphore_mem>>) src(%arg10 : memref<8x1024xf32, #tpu.memory_space<vmem>>) dst(%dma_wait3A_152 : memref<8x1024xf32, #tpu.memory_space<hbm>>)
    %dma_start3A_153 = arith.constant 96 : i32
    %dma_start3A_154 = tpu.memref_slice %arg5[%dma_start3A_153] : memref<512xi32, #tpu.memory_space<vmem>> -> memref<8xi32, #tpu.memory_space<vmem>>
    %dma_start3A_155 = arith.constant 0 : i32
    %dma_start3A_156 = arith.constant 0 : i32
    %dma_start3A_157 = tpu.memref_slice %arg2[%dma_start3A_155, %dma_start3A_156] : memref<8192x1024xf32, #tpu.memory_space<hbm>> -> memref<8192x1024xf32, #tpu.memory_space<hbm>>
    tpu.enqueue_indirect_dma source(%dma_start3A_157 : memref<8192x1024xf32, #tpu.memory_space<hbm>>) target(%arg10 : memref<8x1024xf32, #tpu.memory_space<vmem>>) offsets(%dma_start3A_154 : memref<8xi32, #tpu.memory_space<vmem>>) semaphore(%arg18 : memref<!tpu.dma_semaphore, #tpu.memory_space<semaphore_mem>>)
    %dma_wait3A_158 = arith.constant 0 : i32
    %dma_wait3A_159 = arith.constant 0 : i32
    %dma_wait3A_160 = tpu.memref_slice %arg2[%dma_wait3A_158, %dma_wait3A_159] : memref<8192x1024xf32, #tpu.memory_space<hbm>> -> memref<8x1024xf32, #tpu.memory_space<hbm>>
    %dma_wait3A_161 = arith.constant 0 : i32
    %dma_wait3A_162 = arith.constant 0 : i32
    %dma_wait3A_163 = tpu.memref_slice %arg2[%dma_wait3A_161, %dma_wait3A_162] : memref<8192x1024xf32, #tpu.memory_space<hbm>> -> memref<8x1024xf32, #tpu.memory_space<hbm>>
    tpu.wait_dma2 semaphore(%arg20 : memref<!tpu.dma_semaphore, #tpu.memory_space<semaphore_mem>>) src(%dma_wait3A_163 : memref<8x1024xf32, #tpu.memory_space<hbm>>) dst(%arg12 : memref<8x1024xf32, #tpu.memory_space<vmem>>)
    %add3A_164 = arith.constant 48 : i32
    %add3A_165 = arith.addi %mul3A_2, %add3A_164 : i32
    %dma_start3A_166 = arith.constant 0 : i32
    %dma_start3A_167 = tpu.memref_slice %arg4[%add3A_165, %dma_start3A_166] : memref<16384x1024xf32, #tpu.memory_space<hbm>> -> memref<8x1024xf32, #tpu.memory_space<hbm>>
    %dma_start3A_168 = arith.constant 0 : i32
    %dma_start3A_169 = tpu.memref_slice %arg4[%add3A_165, %dma_start3A_168] : memref<16384x1024xf32, #tpu.memory_space<hbm>> -> memref<8x1024xf32, #tpu.memory_space<hbm>>
    tpu.enqueue_dma source(%arg12 : memref<8x1024xf32, #tpu.memory_space<vmem>>) target(%dma_start3A_169 : memref<8x1024xf32, #tpu.memory_space<hbm>>) target_semaphore(%arg28 : memref<!tpu.dma_semaphore, #tpu.memory_space<semaphore_mem>>)
    %dma_wait3A_170 = arith.constant 0 : i32
    %dma_wait3A_171 = tpu.memref_slice %arg4[%mul3A_2, %dma_wait3A_170] : memref<16384x1024xf32, #tpu.memory_space<hbm>> -> memref<8x1024xf32, #tpu.memory_space<hbm>>
    %dma_wait3A_172 = arith.constant 0 : i32
    %dma_wait3A_173 = tpu.memref_slice %arg4[%mul3A_2, %dma_wait3A_172] : memref<16384x1024xf32, #tpu.memory_space<hbm>> -> memref<8x1024xf32, #tpu.memory_space<hbm>>
    tpu.wait_dma2 semaphore(%arg27 : memref<!tpu.dma_semaphore, #tpu.memory_space<semaphore_mem>>) src(%arg11 : memref<8x1024xf32, #tpu.memory_space<vmem>>) dst(%dma_wait3A_173 : memref<8x1024xf32, #tpu.memory_space<hbm>>)
    %dma_start3A_174 = arith.constant 104 : i32
    %dma_start3A_175 = tpu.memref_slice %arg5[%dma_start3A_174] : memref<512xi32, #tpu.memory_space<vmem>> -> memref<8xi32, #tpu.memory_space<vmem>>
    %dma_start3A_176 = arith.constant 0 : i32
    %dma_start3A_177 = arith.constant 0 : i32
    %dma_start3A_178 = tpu.memref_slice %arg2[%dma_start3A_176, %dma_start3A_177] : memref<8192x1024xf32, #tpu.memory_space<hbm>> -> memref<8192x1024xf32, #tpu.memory_space<hbm>>
    tpu.enqueue_indirect_dma source(%dma_start3A_178 : memref<8192x1024xf32, #tpu.memory_space<hbm>>) target(%arg11 : memref<8x1024xf32, #tpu.memory_space<vmem>>) offsets(%dma_start3A_175 : memref<8xi32, #tpu.memory_space<vmem>>) semaphore(%arg19 : memref<!tpu.dma_semaphore, #tpu.memory_space<semaphore_mem>>)
    %dma_wait3A_179 = arith.constant 0 : i32
    %dma_wait3A_180 = arith.constant 0 : i32
    %dma_wait3A_181 = tpu.memref_slice %arg2[%dma_wait3A_179, %dma_wait3A_180] : memref<8192x1024xf32, #tpu.memory_space<hbm>> -> memref<8x1024xf32, #tpu.memory_space<hbm>>
    %dma_wait3A_182 = arith.constant 0 : i32
    %dma_wait3A_183 = arith.constant 0 : i32
    %dma_wait3A_184 = tpu.memref_slice %arg2[%dma_wait3A_182, %dma_wait3A_183] : memref<8192x1024xf32, #tpu.memory_space<hbm>> -> memref<8x1024xf32, #tpu.memory_space<hbm>>
    tpu.wait_dma2 semaphore(%arg21 : memref<!tpu.dma_semaphore, #tpu.memory_space<semaphore_mem>>) src(%dma_wait3A_184 : memref<8x1024xf32, #tpu.memory_space<hbm>>) dst(%arg13 : memref<8x1024xf32, #tpu.memory_space<vmem>>)
    %add3A_185 = arith.constant 56 : i32
    %add3A_186 = arith.addi %mul3A_2, %add3A_185 : i32
    %dma_start3A_187 = arith.constant 0 : i32
    %dma_start3A_188 = tpu.memref_slice %arg4[%add3A_186, %dma_start3A_187] : memref<16384x1024xf32, #tpu.memory_space<hbm>> -> memref<8x1024xf32, #tpu.memory_space<hbm>>
    %dma_start3A_189 = arith.constant 0 : i32
    %dma_start3A_190 = tpu.memref_slice %arg4[%add3A_186, %dma_start3A_189] : memref<16384x1024xf32, #tpu.memory_space<hbm>> -> memref<8x1024xf32, #tpu.memory_space<hbm>>
    tpu.enqueue_dma source(%arg13 : memref<8x1024xf32, #tpu.memory_space<vmem>>) target(%dma_start3A_190 : memref<8x1024xf32, #tpu.memory_space<hbm>>) target_semaphore(%arg29 : memref<!tpu.dma_semaphore, #tpu.memory_space<semaphore_mem>>)
    %dma_wait3A_191 = arith.constant 0 : i32
    %dma_wait3A_192 = tpu.memref_slice %arg4[%mul3A_2, %dma_wait3A_191] : memref<16384x1024xf32, #tpu.memory_space<hbm>> -> memref<8x1024xf32, #tpu.memory_space<hbm>>
    %dma_wait3A_193 = arith.constant 0 : i32
    %dma_wait3A_194 = tpu.memref_slice %arg4[%mul3A_2, %dma_wait3A_193] : memref<16384x1024xf32, #tpu.memory_space<hbm>> -> memref<8x1024xf32, #tpu.memory_space<hbm>>
    tpu.wait_dma2 semaphore(%arg28 : memref<!tpu.dma_semaphore, #tpu.memory_space<semaphore_mem>>) src(%arg12 : memref<8x1024xf32, #tpu.memory_space<vmem>>) dst(%dma_wait3A_194 : memref<8x1024xf32, #tpu.memory_space<hbm>>)
    %dma_start3A_195 = arith.constant 112 : i32
    %dma_start3A_196 = tpu.memref_slice %arg5[%dma_start3A_195] : memref<512xi32, #tpu.memory_space<vmem>> -> memref<8xi32, #tpu.memory_space<vmem>>
    %dma_start3A_197 = arith.constant 0 : i32
    %dma_start3A_198 = arith.constant 0 : i32
    %dma_start3A_199 = tpu.memref_slice %arg2[%dma_start3A_197, %dma_start3A_198] : memref<8192x1024xf32, #tpu.memory_space<hbm>> -> memref<8192x1024xf32, #tpu.memory_space<hbm>>
    tpu.enqueue_indirect_dma source(%dma_start3A_199 : memref<8192x1024xf32, #tpu.memory_space<hbm>>) target(%arg12 : memref<8x1024xf32, #tpu.memory_space<vmem>>) offsets(%dma_start3A_196 : memref<8xi32, #tpu.memory_space<vmem>>) semaphore(%arg20 : memref<!tpu.dma_semaphore, #tpu.memory_space<semaphore_mem>>)
    %scan3A = arith.constant 0 : i32
    %scan3A_200 = arith.constant 6 : i32
    %scan3A_201 = arith.addi %scan3A, %scan3A_200 : i32
    %scan3A_202 = arith.constant 1 : i32
    scf.for %scan3A_341 = %scan3A to %scan3A_201 step %scan3A_202  : i32 {
      %mul3A_342 = arith.constant 1 : i32
      %mul3A_343 = arith.muli %scan3A_341, %mul3A_342 : i32
      %add3A_344 = arith.constant 1 : i32
      %add3A_345 = arith.addi %add3A_344, %mul3A_343 : i32
      %mul3A_346 = arith.constant 8 : i32
      %mul3A_347 = arith.muli %mul3A_346, %add3A_345 : i32
      %add3A_348 = arith.constant 0 : i32
      %add3A_349 = arith.addi %mul3A_347, %add3A_348 : i32
      %dma_wait3A_350 = arith.constant 0 : i32
      %dma_wait3A_351 = arith.constant 0 : i32
      %dma_wait3A_352 = tpu.memref_slice %arg2[%dma_wait3A_350, %dma_wait3A_351] : memref<8192x1024xf32, #tpu.memory_space<hbm>> -> memref<8x1024xf32, #tpu.memory_space<hbm>>
      %dma_wait3A_353 = arith.constant 0 : i32
      %dma_wait3A_354 = arith.constant 0 : i32
      %dma_wait3A_355 = tpu.memref_slice %arg2[%dma_wait3A_353, %dma_wait3A_354] : memref<8192x1024xf32, #tpu.memory_space<hbm>> -> memref<8x1024xf32, #tpu.memory_space<hbm>>
      tpu.wait_dma2 semaphore(%arg14 : memref<!tpu.dma_semaphore, #tpu.memory_space<semaphore_mem>>) src(%dma_wait3A_355 : memref<8x1024xf32, #tpu.memory_space<hbm>>) dst(%arg6 : memref<8x1024xf32, #tpu.memory_space<vmem>>)
      %mul3A_356 = arith.constant 8 : i32
      %mul3A_357 = arith.muli %add3A_349, %mul3A_356 : i32
      %add3A_358 = arith.addi %mul3A_2, %mul3A_357 : i32
      %dma_start3A_359 = arith.constant 0 : i32
      %dma_start3A_360 = tpu.memref_slice %arg4[%add3A_358, %dma_start3A_359] : memref<16384x1024xf32, #tpu.memory_space<hbm>> -> memref<8x1024xf32, #tpu.memory_space<hbm>>
      %dma_start3A_361 = arith.constant 0 : i32
      %dma_start3A_362 = tpu.memref_slice %arg4[%add3A_358, %dma_start3A_361] : memref<16384x1024xf32, #tpu.memory_space<hbm>> -> memref<8x1024xf32, #tpu.memory_space<hbm>>
      tpu.enqueue_dma source(%arg6 : memref<8x1024xf32, #tpu.memory_space<vmem>>) target(%dma_start3A_362 : memref<8x1024xf32, #tpu.memory_space<hbm>>) target_semaphore(%arg22 : memref<!tpu.dma_semaphore, #tpu.memory_space<semaphore_mem>>)
      %dma_wait3A_363 = arith.constant 0 : i32
      %dma_wait3A_364 = tpu.memref_slice %arg4[%mul3A_2, %dma_wait3A_363] : memref<16384x1024xf32, #tpu.memory_space<hbm>> -> memref<8x1024xf32, #tpu.memory_space<hbm>>
      %dma_wait3A_365 = arith.constant 0 : i32
      %dma_wait3A_366 = tpu.memref_slice %arg4[%mul3A_2, %dma_wait3A_365] : memref<16384x1024xf32, #tpu.memory_space<hbm>> -> memref<8x1024xf32, #tpu.memory_space<hbm>>
      tpu.wait_dma2 semaphore(%arg29 : memref<!tpu.dma_semaphore, #tpu.memory_space<semaphore_mem>>) src(%arg13 : memref<8x1024xf32, #tpu.memory_space<vmem>>) dst(%dma_wait3A_366 : memref<8x1024xf32, #tpu.memory_space<hbm>>)
      %add3A_367 = arith.constant 8 : i32
      %add3A_368 = arith.addi %add3A_349, %add3A_367 : i32
      %sub3A = arith.constant 1 : i32
      %sub3A_369 = arith.subi %add3A_368, %sub3A : i32
      %mul3A_370 = arith.constant 8 : i32
      %mul3A_371 = arith.muli %sub3A_369, %mul3A_370 : i32
      %dma_start3A_372 = tpu.memref_slice %arg5[%mul3A_371] : memref<512xi32, #tpu.memory_space<vmem>> -> memref<8xi32, #tpu.memory_space<vmem>>
      %dma_start3A_373 = arith.constant 0 : i32
      %dma_start3A_374 = arith.constant 0 : i32
      %dma_start3A_375 = tpu.memref_slice %arg2[%dma_start3A_373, %dma_start3A_374] : memref<8192x1024xf32, #tpu.memory_space<hbm>> -> memref<8192x1024xf32, #tpu.memory_space<hbm>>
      tpu.enqueue_indirect_dma source(%dma_start3A_375 : memref<8192x1024xf32, #tpu.memory_space<hbm>>) target(%arg13 : memref<8x1024xf32, #tpu.memory_space<vmem>>) offsets(%dma_start3A_372 : memref<8xi32, #tpu.memory_space<vmem>>) semaphore(%arg21 : memref<!tpu.dma_semaphore, #tpu.memory_space<semaphore_mem>>)
      %mul3A_376 = arith.constant 8 : i32
      %mul3A_377 = arith.muli %mul3A_376, %add3A_345 : i32
      %add3A_378 = arith.constant 1 : i32
      %add3A_379 = arith.addi %mul3A_377, %add3A_378 : i32
      %dma_wait3A_380 = arith.constant 0 : i32
      %dma_wait3A_381 = arith.constant 0 : i32
      %dma_wait3A_382 = tpu.memref_slice %arg2[%dma_wait3A_380, %dma_wait3A_381] : memref<8192x1024xf32, #tpu.memory_space<hbm>> -> memref<8x1024xf32, #tpu.memory_space<hbm>>
      %dma_wait3A_383 = arith.constant 0 : i32
      %dma_wait3A_384 = arith.constant 0 : i32
      %dma_wait3A_385 = tpu.memref_slice %arg2[%dma_wait3A_383, %dma_wait3A_384] : memref<8192x1024xf32, #tpu.memory_space<hbm>> -> memref<8x1024xf32, #tpu.memory_space<hbm>>
      tpu.wait_dma2 semaphore(%arg15 : memref<!tpu.dma_semaphore, #tpu.memory_space<semaphore_mem>>) src(%dma_wait3A_385 : memref<8x1024xf32, #tpu.memory_space<hbm>>) dst(%arg7 : memref<8x1024xf32, #tpu.memory_space<vmem>>)
      %mul3A_386 = arith.constant 8 : i32
      %mul3A_387 = arith.muli %add3A_379, %mul3A_386 : i32
      %add3A_388 = arith.addi %mul3A_2, %mul3A_387 : i32
      %dma_start3A_389 = arith.constant 0 : i32
      %dma_start3A_390 = tpu.memref_slice %arg4[%add3A_388, %dma_start3A_389] : memref<16384x1024xf32, #tpu.memory_space<hbm>> -> memref<8x1024xf32, #tpu.memory_space<hbm>>
      %dma_start3A_391 = arith.constant 0 : i32
      %dma_start3A_392 = tpu.memref_slice %arg4[%add3A_388, %dma_start3A_391] : memref<16384x1024xf32, #tpu.memory_space<hbm>> -> memref<8x1024xf32, #tpu.memory_space<hbm>>
      tpu.enqueue_dma source(%arg7 : memref<8x1024xf32, #tpu.memory_space<vmem>>) target(%dma_start3A_392 : memref<8x1024xf32, #tpu.memory_space<hbm>>) target_semaphore(%arg23 : memref<!tpu.dma_semaphore, #tpu.memory_space<semaphore_mem>>)
      %dma_wait3A_393 = arith.constant 0 : i32
      %dma_wait3A_394 = tpu.memref_slice %arg4[%mul3A_2, %dma_wait3A_393] : memref<16384x1024xf32, #tpu.memory_space<hbm>> -> memref<8x1024xf32, #tpu.memory_space<hbm>>
      %dma_wait3A_395 = arith.constant 0 : i32
      %dma_wait3A_396 = tpu.memref_slice %arg4[%mul3A_2, %dma_wait3A_395] : memref<16384x1024xf32, #tpu.memory_space<hbm>> -> memref<8x1024xf32, #tpu.memory_space<hbm>>
      tpu.wait_dma2 semaphore(%arg22 : memref<!tpu.dma_semaphore, #tpu.memory_space<semaphore_mem>>) src(%arg6 : memref<8x1024xf32, #tpu.memory_space<vmem>>) dst(%dma_wait3A_396 : memref<8x1024xf32, #tpu.memory_space<hbm>>)
      %add3A_397 = arith.constant 8 : i32
      %add3A_398 = arith.addi %add3A_379, %add3A_397 : i32
      %sub3A_399 = arith.constant 1 : i32
      %sub3A_400 = arith.subi %add3A_398, %sub3A_399 : i32
      %mul3A_401 = arith.constant 8 : i32
      %mul3A_402 = arith.muli %sub3A_400, %mul3A_401 : i32
      %dma_start3A_403 = tpu.memref_slice %arg5[%mul3A_402] : memref<512xi32, #tpu.memory_space<vmem>> -> memref<8xi32, #tpu.memory_space<vmem>>
      %dma_start3A_404 = arith.constant 0 : i32
      %dma_start3A_405 = arith.constant 0 : i32
      %dma_start3A_406 = tpu.memref_slice %arg2[%dma_start3A_404, %dma_start3A_405] : memref<8192x1024xf32, #tpu.memory_space<hbm>> -> memref<8192x1024xf32, #tpu.memory_space<hbm>>
      tpu.enqueue_indirect_dma source(%dma_start3A_406 : memref<8192x1024xf32, #tpu.memory_space<hbm>>) target(%arg6 : memref<8x1024xf32, #tpu.memory_space<vmem>>) offsets(%dma_start3A_403 : memref<8xi32, #tpu.memory_space<vmem>>) semaphore(%arg14 : memref<!tpu.dma_semaphore, #tpu.memory_space<semaphore_mem>>)
      %mul3A_407 = arith.constant 8 : i32
      %mul3A_408 = arith.muli %mul3A_407, %add3A_345 : i32
      %add3A_409 = arith.constant 2 : i32
      %add3A_410 = arith.addi %mul3A_408, %add3A_409 : i32
      %dma_wait3A_411 = arith.constant 0 : i32
      %dma_wait3A_412 = arith.constant 0 : i32
      %dma_wait3A_413 = tpu.memref_slice %arg2[%dma_wait3A_411, %dma_wait3A_412] : memref<8192x1024xf32, #tpu.memory_space<hbm>> -> memref<8x1024xf32, #tpu.memory_space<hbm>>
      %dma_wait3A_414 = arith.constant 0 : i32
      %dma_wait3A_415 = arith.constant 0 : i32
      %dma_wait3A_416 = tpu.memref_slice %arg2[%dma_wait3A_414, %dma_wait3A_415] : memref<8192x1024xf32, #tpu.memory_space<hbm>> -> memref<8x1024xf32, #tpu.memory_space<hbm>>
      tpu.wait_dma2 semaphore(%arg16 : memref<!tpu.dma_semaphore, #tpu.memory_space<semaphore_mem>>) src(%dma_wait3A_416 : memref<8x1024xf32, #tpu.memory_space<hbm>>) dst(%arg8 : memref<8x1024xf32, #tpu.memory_space<vmem>>)
      %mul3A_417 = arith.constant 8 : i32
      %mul3A_418 = arith.muli %add3A_410, %mul3A_417 : i32
      %add3A_419 = arith.addi %mul3A_2, %mul3A_418 : i32
      %dma_start3A_420 = arith.constant 0 : i32
      %dma_start3A_421 = tpu.memref_slice %arg4[%add3A_419, %dma_start3A_420] : memref<16384x1024xf32, #tpu.memory_space<hbm>> -> memref<8x1024xf32, #tpu.memory_space<hbm>>
      %dma_start3A_422 = arith.constant 0 : i32
      %dma_start3A_423 = tpu.memref_slice %arg4[%add3A_419, %dma_start3A_422] : memref<16384x1024xf32, #tpu.memory_space<hbm>> -> memref<8x1024xf32, #tpu.memory_space<hbm>>
      tpu.enqueue_dma source(%arg8 : memref<8x1024xf32, #tpu.memory_space<vmem>>) target(%dma_start3A_423 : memref<8x1024xf32, #tpu.memory_space<hbm>>) target_semaphore(%arg24 : memref<!tpu.dma_semaphore, #tpu.memory_space<semaphore_mem>>)
      %dma_wait3A_424 = arith.constant 0 : i32
      %dma_wait3A_425 = tpu.memref_slice %arg4[%mul3A_2, %dma_wait3A_424] : memref<16384x1024xf32, #tpu.memory_space<hbm>> -> memref<8x1024xf32, #tpu.memory_space<hbm>>
      %dma_wait3A_426 = arith.constant 0 : i32
      %dma_wait3A_427 = tpu.memref_slice %arg4[%mul3A_2, %dma_wait3A_426] : memref<16384x1024xf32, #tpu.memory_space<hbm>> -> memref<8x1024xf32, #tpu.memory_space<hbm>>
      tpu.wait_dma2 semaphore(%arg23 : memref<!tpu.dma_semaphore, #tpu.memory_space<semaphore_mem>>) src(%arg7 : memref<8x1024xf32, #tpu.memory_space<vmem>>) dst(%dma_wait3A_427 : memref<8x1024xf32, #tpu.memory_space<hbm>>)
      %add3A_428 = arith.constant 8 : i32
      %add3A_429 = arith.addi %add3A_410, %add3A_428 : i32
      %sub3A_430 = arith.constant 1 : i32
      %sub3A_431 = arith.subi %add3A_429, %sub3A_430 : i32
      %mul3A_432 = arith.constant 8 : i32
      %mul3A_433 = arith.muli %sub3A_431, %mul3A_432 : i32
      %dma_start3A_434 = tpu.memref_slice %arg5[%mul3A_433] : memref<512xi32, #tpu.memory_space<vmem>> -> memref<8xi32, #tpu.memory_space<vmem>>
      %dma_start3A_435 = arith.constant 0 : i32
      %dma_start3A_436 = arith.constant 0 : i32
      %dma_start3A_437 = tpu.memref_slice %arg2[%dma_start3A_435, %dma_start3A_436] : memref<8192x1024xf32, #tpu.memory_space<hbm>> -> memref<8192x1024xf32, #tpu.memory_space<hbm>>
      tpu.enqueue_indirect_dma source(%dma_start3A_437 : memref<8192x1024xf32, #tpu.memory_space<hbm>>) target(%arg7 : memref<8x1024xf32, #tpu.memory_space<vmem>>) offsets(%dma_start3A_434 : memref<8xi32, #tpu.memory_space<vmem>>) semaphore(%arg15 : memref<!tpu.dma_semaphore, #tpu.memory_space<semaphore_mem>>)
      %mul3A_438 = arith.constant 8 : i32
      %mul3A_439 = arith.muli %mul3A_438, %add3A_345 : i32
      %add3A_440 = arith.constant 3 : i32
      %add3A_441 = arith.addi %mul3A_439, %add3A_440 : i32
      %dma_wait3A_442 = arith.constant 0 : i32
      %dma_wait3A_443 = arith.constant 0 : i32
      %dma_wait3A_444 = tpu.memref_slice %arg2[%dma_wait3A_442, %dma_wait3A_443] : memref<8192x1024xf32, #tpu.memory_space<hbm>> -> memref<8x1024xf32, #tpu.memory_space<hbm>>
      %dma_wait3A_445 = arith.constant 0 : i32
      %dma_wait3A_446 = arith.constant 0 : i32
      %dma_wait3A_447 = tpu.memref_slice %arg2[%dma_wait3A_445, %dma_wait3A_446] : memref<8192x1024xf32, #tpu.memory_space<hbm>> -> memref<8x1024xf32, #tpu.memory_space<hbm>>
      tpu.wait_dma2 semaphore(%arg17 : memref<!tpu.dma_semaphore, #tpu.memory_space<semaphore_mem>>) src(%dma_wait3A_447 : memref<8x1024xf32, #tpu.memory_space<hbm>>) dst(%arg9 : memref<8x1024xf32, #tpu.memory_space<vmem>>)
      %mul3A_448 = arith.constant 8 : i32
      %mul3A_449 = arith.muli %add3A_441, %mul3A_448 : i32
      %add3A_450 = arith.addi %mul3A_2, %mul3A_449 : i32
      %dma_start3A_451 = arith.constant 0 : i32
      %dma_start3A_452 = tpu.memref_slice %arg4[%add3A_450, %dma_start3A_451] : memref<16384x1024xf32, #tpu.memory_space<hbm>> -> memref<8x1024xf32, #tpu.memory_space<hbm>>
      %dma_start3A_453 = arith.constant 0 : i32
      %dma_start3A_454 = tpu.memref_slice %arg4[%add3A_450, %dma_start3A_453] : memref<16384x1024xf32, #tpu.memory_space<hbm>> -> memref<8x1024xf32, #tpu.memory_space<hbm>>
      tpu.enqueue_dma source(%arg9 : memref<8x1024xf32, #tpu.memory_space<vmem>>) target(%dma_start3A_454 : memref<8x1024xf32, #tpu.memory_space<hbm>>) target_semaphore(%arg25 : memref<!tpu.dma_semaphore, #tpu.memory_space<semaphore_mem>>)
      %dma_wait3A_455 = arith.constant 0 : i32
      %dma_wait3A_456 = tpu.memref_slice %arg4[%mul3A_2, %dma_wait3A_455] : memref<16384x1024xf32, #tpu.memory_space<hbm>> -> memref<8x1024xf32, #tpu.memory_space<hbm>>
      %dma_wait3A_457 = arith.constant 0 : i32
      %dma_wait3A_458 = tpu.memref_slice %arg4[%mul3A_2, %dma_wait3A_457] : memref<16384x1024xf32, #tpu.memory_space<hbm>> -> memref<8x1024xf32, #tpu.memory_space<hbm>>
      tpu.wait_dma2 semaphore(%arg24 : memref<!tpu.dma_semaphore, #tpu.memory_space<semaphore_mem>>) src(%arg8 : memref<8x1024xf32, #tpu.memory_space<vmem>>) dst(%dma_wait3A_458 : memref<8x1024xf32, #tpu.memory_space<hbm>>)
      %add3A_459 = arith.constant 8 : i32
      %add3A_460 = arith.addi %add3A_441, %add3A_459 : i32
      %sub3A_461 = arith.constant 1 : i32
      %sub3A_462 = arith.subi %add3A_460, %sub3A_461 : i32
      %mul3A_463 = arith.constant 8 : i32
      %mul3A_464 = arith.muli %sub3A_462, %mul3A_463 : i32
      %dma_start3A_465 = tpu.memref_slice %arg5[%mul3A_464] : memref<512xi32, #tpu.memory_space<vmem>> -> memref<8xi32, #tpu.memory_space<vmem>>
      %dma_start3A_466 = arith.constant 0 : i32
      %dma_start3A_467 = arith.constant 0 : i32
      %dma_start3A_468 = tpu.memref_slice %arg2[%dma_start3A_466, %dma_start3A_467] : memref<8192x1024xf32, #tpu.memory_space<hbm>> -> memref<8192x1024xf32, #tpu.memory_space<hbm>>
      tpu.enqueue_indirect_dma source(%dma_start3A_468 : memref<8192x1024xf32, #tpu.memory_space<hbm>>) target(%arg8 : memref<8x1024xf32, #tpu.memory_space<vmem>>) offsets(%dma_start3A_465 : memref<8xi32, #tpu.memory_space<vmem>>) semaphore(%arg16 : memref<!tpu.dma_semaphore, #tpu.memory_space<semaphore_mem>>)
      %mul3A_469 = arith.constant 8 : i32
      %mul3A_470 = arith.muli %mul3A_469, %add3A_345 : i32
      %add3A_471 = arith.constant 4 : i32
      %add3A_472 = arith.addi %mul3A_470, %add3A_471 : i32
      %dma_wait3A_473 = arith.constant 0 : i32
      %dma_wait3A_474 = arith.constant 0 : i32
      %dma_wait3A_475 = tpu.memref_slice %arg2[%dma_wait3A_473, %dma_wait3A_474] : memref<8192x1024xf32, #tpu.memory_space<hbm>> -> memref<8x1024xf32, #tpu.memory_space<hbm>>
      %dma_wait3A_476 = arith.constant 0 : i32
      %dma_wait3A_477 = arith.constant 0 : i32
      %dma_wait3A_478 = tpu.memref_slice %arg2[%dma_wait3A_476, %dma_wait3A_477] : memref<8192x1024xf32, #tpu.memory_space<hbm>> -> memref<8x1024xf32, #tpu.memory_space<hbm>>
      tpu.wait_dma2 semaphore(%arg18 : memref<!tpu.dma_semaphore, #tpu.memory_space<semaphore_mem>>) src(%dma_wait3A_478 : memref<8x1024xf32, #tpu.memory_space<hbm>>) dst(%arg10 : memref<8x1024xf32, #tpu.memory_space<vmem>>)
      %mul3A_479 = arith.constant 8 : i32
      %mul3A_480 = arith.muli %add3A_472, %mul3A_479 : i32
      %add3A_481 = arith.addi %mul3A_2, %mul3A_480 : i32
      %dma_start3A_482 = arith.constant 0 : i32
      %dma_start3A_483 = tpu.memref_slice %arg4[%add3A_481, %dma_start3A_482] : memref<16384x1024xf32, #tpu.memory_space<hbm>> -> memref<8x1024xf32, #tpu.memory_space<hbm>>
      %dma_start3A_484 = arith.constant 0 : i32
      %dma_start3A_485 = tpu.memref_slice %arg4[%add3A_481, %dma_start3A_484] : memref<16384x1024xf32, #tpu.memory_space<hbm>> -> memref<8x1024xf32, #tpu.memory_space<hbm>>
      tpu.enqueue_dma source(%arg10 : memref<8x1024xf32, #tpu.memory_space<vmem>>) target(%dma_start3A_485 : memref<8x1024xf32, #tpu.memory_space<hbm>>) target_semaphore(%arg26 : memref<!tpu.dma_semaphore, #tpu.memory_space<semaphore_mem>>)
      %dma_wait3A_486 = arith.constant 0 : i32
      %dma_wait3A_487 = tpu.memref_slice %arg4[%mul3A_2, %dma_wait3A_486] : memref<16384x1024xf32, #tpu.memory_space<hbm>> -> memref<8x1024xf32, #tpu.memory_space<hbm>>
      %dma_wait3A_488 = arith.constant 0 : i32
      %dma_wait3A_489 = tpu.memref_slice %arg4[%mul3A_2, %dma_wait3A_488] : memref<16384x1024xf32, #tpu.memory_space<hbm>> -> memref<8x1024xf32, #tpu.memory_space<hbm>>
      tpu.wait_dma2 semaphore(%arg25 : memref<!tpu.dma_semaphore, #tpu.memory_space<semaphore_mem>>) src(%arg9 : memref<8x1024xf32, #tpu.memory_space<vmem>>) dst(%dma_wait3A_489 : memref<8x1024xf32, #tpu.memory_space<hbm>>)
      %add3A_490 = arith.constant 8 : i32
      %add3A_491 = arith.addi %add3A_472, %add3A_490 : i32
      %sub3A_492 = arith.constant 1 : i32
      %sub3A_493 = arith.subi %add3A_491, %sub3A_492 : i32
      %mul3A_494 = arith.constant 8 : i32
      %mul3A_495 = arith.muli %sub3A_493, %mul3A_494 : i32
      %dma_start3A_496 = tpu.memref_slice %arg5[%mul3A_495] : memref<512xi32, #tpu.memory_space<vmem>> -> memref<8xi32, #tpu.memory_space<vmem>>
      %dma_start3A_497 = arith.constant 0 : i32
      %dma_start3A_498 = arith.constant 0 : i32
      %dma_start3A_499 = tpu.memref_slice %arg2[%dma_start3A_497, %dma_start3A_498] : memref<8192x1024xf32, #tpu.memory_space<hbm>> -> memref<8192x1024xf32, #tpu.memory_space<hbm>>
      tpu.enqueue_indirect_dma source(%dma_start3A_499 : memref<8192x1024xf32, #tpu.memory_space<hbm>>) target(%arg9 : memref<8x1024xf32, #tpu.memory_space<vmem>>) offsets(%dma_start3A_496 : memref<8xi32, #tpu.memory_space<vmem>>) semaphore(%arg17 : memref<!tpu.dma_semaphore, #tpu.memory_space<semaphore_mem>>)
      %mul3A_500 = arith.constant 8 : i32
      %mul3A_501 = arith.muli %mul3A_500, %add3A_345 : i32
      %add3A_502 = arith.constant 5 : i32
      %add3A_503 = arith.addi %mul3A_501, %add3A_502 : i32
      %dma_wait3A_504 = arith.constant 0 : i32
      %dma_wait3A_505 = arith.constant 0 : i32
      %dma_wait3A_506 = tpu.memref_slice %arg2[%dma_wait3A_504, %dma_wait3A_505] : memref<8192x1024xf32, #tpu.memory_space<hbm>> -> memref<8x1024xf32, #tpu.memory_space<hbm>>
      %dma_wait3A_507 = arith.constant 0 : i32
      %dma_wait3A_508 = arith.constant 0 : i32
      %dma_wait3A_509 = tpu.memref_slice %arg2[%dma_wait3A_507, %dma_wait3A_508] : memref<8192x1024xf32, #tpu.memory_space<hbm>> -> memref<8x1024xf32, #tpu.memory_space<hbm>>
      tpu.wait_dma2 semaphore(%arg19 : memref<!tpu.dma_semaphore, #tpu.memory_space<semaphore_mem>>) src(%dma_wait3A_509 : memref<8x1024xf32, #tpu.memory_space<hbm>>) dst(%arg11 : memref<8x1024xf32, #tpu.memory_space<vmem>>)
      %mul3A_510 = arith.constant 8 : i32
      %mul3A_511 = arith.muli %add3A_503, %mul3A_510 : i32
      %add3A_512 = arith.addi %mul3A_2, %mul3A_511 : i32
      %dma_start3A_513 = arith.constant 0 : i32
      %dma_start3A_514 = tpu.memref_slice %arg4[%add3A_512, %dma_start3A_513] : memref<16384x1024xf32, #tpu.memory_space<hbm>> -> memref<8x1024xf32, #tpu.memory_space<hbm>>
      %dma_start3A_515 = arith.constant 0 : i32
      %dma_start3A_516 = tpu.memref_slice %arg4[%add3A_512, %dma_start3A_515] : memref<16384x1024xf32, #tpu.memory_space<hbm>> -> memref<8x1024xf32, #tpu.memory_space<hbm>>
      tpu.enqueue_dma source(%arg11 : memref<8x1024xf32, #tpu.memory_space<vmem>>) target(%dma_start3A_516 : memref<8x1024xf32, #tpu.memory_space<hbm>>) target_semaphore(%arg27 : memref<!tpu.dma_semaphore, #tpu.memory_space<semaphore_mem>>)
      %dma_wait3A_517 = arith.constant 0 : i32
      %dma_wait3A_518 = tpu.memref_slice %arg4[%mul3A_2, %dma_wait3A_517] : memref<16384x1024xf32, #tpu.memory_space<hbm>> -> memref<8x1024xf32, #tpu.memory_space<hbm>>
      %dma_wait3A_519 = arith.constant 0 : i32
      %dma_wait3A_520 = tpu.memref_slice %arg4[%mul3A_2, %dma_wait3A_519] : memref<16384x1024xf32, #tpu.memory_space<hbm>> -> memref<8x1024xf32, #tpu.memory_space<hbm>>
      tpu.wait_dma2 semaphore(%arg26 : memref<!tpu.dma_semaphore, #tpu.memory_space<semaphore_mem>>) src(%arg10 : memref<8x1024xf32, #tpu.memory_space<vmem>>) dst(%dma_wait3A_520 : memref<8x1024xf32, #tpu.memory_space<hbm>>)
      %add3A_521 = arith.constant 8 : i32
      %add3A_522 = arith.addi %add3A_503, %add3A_521 : i32
      %sub3A_523 = arith.constant 1 : i32
      %sub3A_524 = arith.subi %add3A_522, %sub3A_523 : i32
      %mul3A_525 = arith.constant 8 : i32
      %mul3A_526 = arith.muli %sub3A_524, %mul3A_525 : i32
      %dma_start3A_527 = tpu.memref_slice %arg5[%mul3A_526] : memref<512xi32, #tpu.memory_space<vmem>> -> memref<8xi32, #tpu.memory_space<vmem>>
      %dma_start3A_528 = arith.constant 0 : i32
      %dma_start3A_529 = arith.constant 0 : i32
      %dma_start3A_530 = tpu.memref_slice %arg2[%dma_start3A_528, %dma_start3A_529] : memref<8192x1024xf32, #tpu.memory_space<hbm>> -> memref<8192x1024xf32, #tpu.memory_space<hbm>>
      tpu.enqueue_indirect_dma source(%dma_start3A_530 : memref<8192x1024xf32, #tpu.memory_space<hbm>>) target(%arg10 : memref<8x1024xf32, #tpu.memory_space<vmem>>) offsets(%dma_start3A_527 : memref<8xi32, #tpu.memory_space<vmem>>) semaphore(%arg18 : memref<!tpu.dma_semaphore, #tpu.memory_space<semaphore_mem>>)
      %mul3A_531 = arith.constant 8 : i32
      %mul3A_532 = arith.muli %mul3A_531, %add3A_345 : i32
      %add3A_533 = arith.constant 6 : i32
      %add3A_534 = arith.addi %mul3A_532, %add3A_533 : i32
      %dma_wait3A_535 = arith.constant 0 : i32
      %dma_wait3A_536 = arith.constant 0 : i32
      %dma_wait3A_537 = tpu.memref_slice %arg2[%dma_wait3A_535, %dma_wait3A_536] : memref<8192x1024xf32, #tpu.memory_space<hbm>> -> memref<8x1024xf32, #tpu.memory_space<hbm>>
      %dma_wait3A_538 = arith.constant 0 : i32
      %dma_wait3A_539 = arith.constant 0 : i32
      %dma_wait3A_540 = tpu.memref_slice %arg2[%dma_wait3A_538, %dma_wait3A_539] : memref<8192x1024xf32, #tpu.memory_space<hbm>> -> memref<8x1024xf32, #tpu.memory_space<hbm>>
      tpu.wait_dma2 semaphore(%arg20 : memref<!tpu.dma_semaphore, #tpu.memory_space<semaphore_mem>>) src(%dma_wait3A_540 : memref<8x1024xf32, #tpu.memory_space<hbm>>) dst(%arg12 : memref<8x1024xf32, #tpu.memory_space<vmem>>)
      %mul3A_541 = arith.constant 8 : i32
      %mul3A_542 = arith.muli %add3A_534, %mul3A_541 : i32
      %add3A_543 = arith.addi %mul3A_2, %mul3A_542 : i32
      %dma_start3A_544 = arith.constant 0 : i32
      %dma_start3A_545 = tpu.memref_slice %arg4[%add3A_543, %dma_start3A_544] : memref<16384x1024xf32, #tpu.memory_space<hbm>> -> memref<8x1024xf32, #tpu.memory_space<hbm>>
      %dma_start3A_546 = arith.constant 0 : i32
      %dma_start3A_547 = tpu.memref_slice %arg4[%add3A_543, %dma_start3A_546] : memref<16384x1024xf32, #tpu.memory_space<hbm>> -> memref<8x1024xf32, #tpu.memory_space<hbm>>
      tpu.enqueue_dma source(%arg12 : memref<8x1024xf32, #tpu.memory_space<vmem>>) target(%dma_start3A_547 : memref<8x1024xf32, #tpu.memory_space<hbm>>) target_semaphore(%arg28 : memref<!tpu.dma_semaphore, #tpu.memory_space<semaphore_mem>>)
      %dma_wait3A_548 = arith.constant 0 : i32
      %dma_wait3A_549 = tpu.memref_slice %arg4[%mul3A_2, %dma_wait3A_548] : memref<16384x1024xf32, #tpu.memory_space<hbm>> -> memref<8x1024xf32, #tpu.memory_space<hbm>>
      %dma_wait3A_550 = arith.constant 0 : i32
      %dma_wait3A_551 = tpu.memref_slice %arg4[%mul3A_2, %dma_wait3A_550] : memref<16384x1024xf32, #tpu.memory_space<hbm>> -> memref<8x1024xf32, #tpu.memory_space<hbm>>
      tpu.wait_dma2 semaphore(%arg27 : memref<!tpu.dma_semaphore, #tpu.memory_space<semaphore_mem>>) src(%arg11 : memref<8x1024xf32, #tpu.memory_space<vmem>>) dst(%dma_wait3A_551 : memref<8x1024xf32, #tpu.memory_space<hbm>>)
      %add3A_552 = arith.constant 8 : i32
      %add3A_553 = arith.addi %add3A_534, %add3A_552 : i32
      %sub3A_554 = arith.constant 1 : i32
      %sub3A_555 = arith.subi %add3A_553, %sub3A_554 : i32
      %mul3A_556 = arith.constant 8 : i32
      %mul3A_557 = arith.muli %sub3A_555, %mul3A_556 : i32
      %dma_start3A_558 = tpu.memref_slice %arg5[%mul3A_557] : memref<512xi32, #tpu.memory_space<vmem>> -> memref<8xi32, #tpu.memory_space<vmem>>
      %dma_start3A_559 = arith.constant 0 : i32
      %dma_start3A_560 = arith.constant 0 : i32
      %dma_start3A_561 = tpu.memref_slice %arg2[%dma_start3A_559, %dma_start3A_560] : memref<8192x1024xf32, #tpu.memory_space<hbm>> -> memref<8192x1024xf32, #tpu.memory_space<hbm>>
      tpu.enqueue_indirect_dma source(%dma_start3A_561 : memref<8192x1024xf32, #tpu.memory_space<hbm>>) target(%arg11 : memref<8x1024xf32, #tpu.memory_space<vmem>>) offsets(%dma_start3A_558 : memref<8xi32, #tpu.memory_space<vmem>>) semaphore(%arg19 : memref<!tpu.dma_semaphore, #tpu.memory_space<semaphore_mem>>)
      %mul3A_562 = arith.constant 8 : i32
      %mul3A_563 = arith.muli %mul3A_562, %add3A_345 : i32
      %add3A_564 = arith.constant 7 : i32
      %add3A_565 = arith.addi %mul3A_563, %add3A_564 : i32
      %dma_wait3A_566 = arith.constant 0 : i32
      %dma_wait3A_567 = arith.constant 0 : i32
      %dma_wait3A_568 = tpu.memref_slice %arg2[%dma_wait3A_566, %dma_wait3A_567] : memref<8192x1024xf32, #tpu.memory_space<hbm>> -> memref<8x1024xf32, #tpu.memory_space<hbm>>
      %dma_wait3A_569 = arith.constant 0 : i32
      %dma_wait3A_570 = arith.constant 0 : i32
      %dma_wait3A_571 = tpu.memref_slice %arg2[%dma_wait3A_569, %dma_wait3A_570] : memref<8192x1024xf32, #tpu.memory_space<hbm>> -> memref<8x1024xf32, #tpu.memory_space<hbm>>
      tpu.wait_dma2 semaphore(%arg21 : memref<!tpu.dma_semaphore, #tpu.memory_space<semaphore_mem>>) src(%dma_wait3A_571 : memref<8x1024xf32, #tpu.memory_space<hbm>>) dst(%arg13 : memref<8x1024xf32, #tpu.memory_space<vmem>>)
      %mul3A_572 = arith.constant 8 : i32
      %mul3A_573 = arith.muli %add3A_565, %mul3A_572 : i32
      %add3A_574 = arith.addi %mul3A_2, %mul3A_573 : i32
      %dma_start3A_575 = arith.constant 0 : i32
      %dma_start3A_576 = tpu.memref_slice %arg4[%add3A_574, %dma_start3A_575] : memref<16384x1024xf32, #tpu.memory_space<hbm>> -> memref<8x1024xf32, #tpu.memory_space<hbm>>
      %dma_start3A_577 = arith.constant 0 : i32
      %dma_start3A_578 = tpu.memref_slice %arg4[%add3A_574, %dma_start3A_577] : memref<16384x1024xf32, #tpu.memory_space<hbm>> -> memref<8x1024xf32, #tpu.memory_space<hbm>>
      tpu.enqueue_dma source(%arg13 : memref<8x1024xf32, #tpu.memory_space<vmem>>) target(%dma_start3A_578 : memref<8x1024xf32, #tpu.memory_space<hbm>>) target_semaphore(%arg29 : memref<!tpu.dma_semaphore, #tpu.memory_space<semaphore_mem>>)
      %dma_wait3A_579 = arith.constant 0 : i32
      %dma_wait3A_580 = tpu.memref_slice %arg4[%mul3A_2, %dma_wait3A_579] : memref<16384x1024xf32, #tpu.memory_space<hbm>> -> memref<8x1024xf32, #tpu.memory_space<hbm>>
      %dma_wait3A_581 = arith.constant 0 : i32
      %dma_wait3A_582 = tpu.memref_slice %arg4[%mul3A_2, %dma_wait3A_581] : memref<16384x1024xf32, #tpu.memory_space<hbm>> -> memref<8x1024xf32, #tpu.memory_space<hbm>>
      tpu.wait_dma2 semaphore(%arg28 : memref<!tpu.dma_semaphore, #tpu.memory_space<semaphore_mem>>) src(%arg12 : memref<8x1024xf32, #tpu.memory_space<vmem>>) dst(%dma_wait3A_582 : memref<8x1024xf32, #tpu.memory_space<hbm>>)
      %add3A_583 = arith.constant 8 : i32
      %add3A_584 = arith.addi %add3A_565, %add3A_583 : i32
      %sub3A_585 = arith.constant 1 : i32
      %sub3A_586 = arith.subi %add3A_584, %sub3A_585 : i32
      %mul3A_587 = arith.constant 8 : i32
      %mul3A_588 = arith.muli %sub3A_586, %mul3A_587 : i32
      %dma_start3A_589 = tpu.memref_slice %arg5[%mul3A_588] : memref<512xi32, #tpu.memory_space<vmem>> -> memref<8xi32, #tpu.memory_space<vmem>>
      %dma_start3A_590 = arith.constant 0 : i32
      %dma_start3A_591 = arith.constant 0 : i32
      %dma_start3A_592 = tpu.memref_slice %arg2[%dma_start3A_590, %dma_start3A_591] : memref<8192x1024xf32, #tpu.memory_space<hbm>> -> memref<8192x1024xf32, #tpu.memory_space<hbm>>
      tpu.enqueue_indirect_dma source(%dma_start3A_592 : memref<8192x1024xf32, #tpu.memory_space<hbm>>) target(%arg12 : memref<8x1024xf32, #tpu.memory_space<vmem>>) offsets(%dma_start3A_589 : memref<8xi32, #tpu.memory_space<vmem>>) semaphore(%arg20 : memref<!tpu.dma_semaphore, #tpu.memory_space<semaphore_mem>>)
    }
    %scan3A_203 = arith.constant 6 : i32
    %dma_wait3A_204 = arith.constant 0 : i32
    %dma_wait3A_205 = arith.constant 0 : i32
    %dma_wait3A_206 = tpu.memref_slice %arg2[%dma_wait3A_204, %dma_wait3A_205] : memref<8192x1024xf32, #tpu.memory_space<hbm>> -> memref<8x1024xf32, #tpu.memory_space<hbm>>
    %dma_wait3A_207 = arith.constant 0 : i32
    %dma_wait3A_208 = arith.constant 0 : i32
    %dma_wait3A_209 = tpu.memref_slice %arg2[%dma_wait3A_207, %dma_wait3A_208] : memref<8192x1024xf32, #tpu.memory_space<hbm>> -> memref<8x1024xf32, #tpu.memory_space<hbm>>
    tpu.wait_dma2 semaphore(%arg14 : memref<!tpu.dma_semaphore, #tpu.memory_space<semaphore_mem>>) src(%dma_wait3A_209 : memref<8x1024xf32, #tpu.memory_space<hbm>>) dst(%arg6 : memref<8x1024xf32, #tpu.memory_space<vmem>>)
    %add3A_210 = arith.constant 448 : i32
    %add3A_211 = arith.addi %mul3A_2, %add3A_210 : i32
    %dma_start3A_212 = arith.constant 0 : i32
    %dma_start3A_213 = tpu.memref_slice %arg4[%add3A_211, %dma_start3A_212] : memref<16384x1024xf32, #tpu.memory_space<hbm>> -> memref<8x1024xf32, #tpu.memory_space<hbm>>
    %dma_start3A_214 = arith.constant 0 : i32
    %dma_start3A_215 = tpu.memref_slice %arg4[%add3A_211, %dma_start3A_214] : memref<16384x1024xf32, #tpu.memory_space<hbm>> -> memref<8x1024xf32, #tpu.memory_space<hbm>>
    tpu.enqueue_dma source(%arg6 : memref<8x1024xf32, #tpu.memory_space<vmem>>) target(%dma_start3A_215 : memref<8x1024xf32, #tpu.memory_space<hbm>>) target_semaphore(%arg22 : memref<!tpu.dma_semaphore, #tpu.memory_space<semaphore_mem>>)
    %dma_wait3A_216 = arith.constant 0 : i32
    %dma_wait3A_217 = tpu.memref_slice %arg4[%mul3A_2, %dma_wait3A_216] : memref<16384x1024xf32, #tpu.memory_space<hbm>> -> memref<8x1024xf32, #tpu.memory_space<hbm>>
    %dma_wait3A_218 = arith.constant 0 : i32
    %dma_wait3A_219 = tpu.memref_slice %arg4[%mul3A_2, %dma_wait3A_218] : memref<16384x1024xf32, #tpu.memory_space<hbm>> -> memref<8x1024xf32, #tpu.memory_space<hbm>>
    tpu.wait_dma2 semaphore(%arg29 : memref<!tpu.dma_semaphore, #tpu.memory_space<semaphore_mem>>) src(%arg13 : memref<8x1024xf32, #tpu.memory_space<vmem>>) dst(%dma_wait3A_219 : memref<8x1024xf32, #tpu.memory_space<hbm>>)
    %dma_start3A_220 = arith.constant 504 : i32
    %dma_start3A_221 = tpu.memref_slice %arg5[%dma_start3A_220] : memref<512xi32, #tpu.memory_space<vmem>> -> memref<8xi32, #tpu.memory_space<vmem>>
    %dma_start3A_222 = arith.constant 0 : i32
    %dma_start3A_223 = arith.constant 0 : i32
    %dma_start3A_224 = tpu.memref_slice %arg2[%dma_start3A_222, %dma_start3A_223] : memref<8192x1024xf32, #tpu.memory_space<hbm>> -> memref<8192x1024xf32, #tpu.memory_space<hbm>>
    tpu.enqueue_indirect_dma source(%dma_start3A_224 : memref<8192x1024xf32, #tpu.memory_space<hbm>>) target(%arg13 : memref<8x1024xf32, #tpu.memory_space<vmem>>) offsets(%dma_start3A_221 : memref<8xi32, #tpu.memory_space<vmem>>) semaphore(%arg21 : memref<!tpu.dma_semaphore, #tpu.memory_space<semaphore_mem>>)
    %dma_wait3A_225 = arith.constant 0 : i32
    %dma_wait3A_226 = arith.constant 0 : i32
    %dma_wait3A_227 = tpu.memref_slice %arg2[%dma_wait3A_225, %dma_wait3A_226] : memref<8192x1024xf32, #tpu.memory_space<hbm>> -> memref<8x1024xf32, #tpu.memory_space<hbm>>
    %dma_wait3A_228 = arith.constant 0 : i32
    %dma_wait3A_229 = arith.constant 0 : i32
    %dma_wait3A_230 = tpu.memref_slice %arg2[%dma_wait3A_228, %dma_wait3A_229] : memref<8192x1024xf32, #tpu.memory_space<hbm>> -> memref<8x1024xf32, #tpu.memory_space<hbm>>
    tpu.wait_dma2 semaphore(%arg15 : memref<!tpu.dma_semaphore, #tpu.memory_space<semaphore_mem>>) src(%dma_wait3A_230 : memref<8x1024xf32, #tpu.memory_space<hbm>>) dst(%arg7 : memref<8x1024xf32, #tpu.memory_space<vmem>>)
    %add3A_231 = arith.constant 456 : i32
    %add3A_232 = arith.addi %mul3A_2, %add3A_231 : i32
    %dma_start3A_233 = arith.constant 0 : i32
    %dma_start3A_234 = tpu.memref_slice %arg4[%add3A_232, %dma_start3A_233] : memref<16384x1024xf32, #tpu.memory_space<hbm>> -> memref<8x1024xf32, #tpu.memory_space<hbm>>
    %dma_start3A_235 = arith.constant 0 : i32
    %dma_start3A_236 = tpu.memref_slice %arg4[%add3A_232, %dma_start3A_235] : memref<16384x1024xf32, #tpu.memory_space<hbm>> -> memref<8x1024xf32, #tpu.memory_space<hbm>>
    tpu.enqueue_dma source(%arg7 : memref<8x1024xf32, #tpu.memory_space<vmem>>) target(%dma_start3A_236 : memref<8x1024xf32, #tpu.memory_space<hbm>>) target_semaphore(%arg23 : memref<!tpu.dma_semaphore, #tpu.memory_space<semaphore_mem>>)
    %dma_wait3A_237 = arith.constant 0 : i32
    %dma_wait3A_238 = tpu.memref_slice %arg4[%mul3A_2, %dma_wait3A_237] : memref<16384x1024xf32, #tpu.memory_space<hbm>> -> memref<8x1024xf32, #tpu.memory_space<hbm>>
    %dma_wait3A_239 = arith.constant 0 : i32
    %dma_wait3A_240 = tpu.memref_slice %arg4[%mul3A_2, %dma_wait3A_239] : memref<16384x1024xf32, #tpu.memory_space<hbm>> -> memref<8x1024xf32, #tpu.memory_space<hbm>>
    tpu.wait_dma2 semaphore(%arg22 : memref<!tpu.dma_semaphore, #tpu.memory_space<semaphore_mem>>) src(%arg6 : memref<8x1024xf32, #tpu.memory_space<vmem>>) dst(%dma_wait3A_240 : memref<8x1024xf32, #tpu.memory_space<hbm>>)
    %dma_wait3A_241 = arith.constant 0 : i32
    %dma_wait3A_242 = arith.constant 0 : i32
    %dma_wait3A_243 = tpu.memref_slice %arg2[%dma_wait3A_241, %dma_wait3A_242] : memref<8192x1024xf32, #tpu.memory_space<hbm>> -> memref<8x1024xf32, #tpu.memory_space<hbm>>
    %dma_wait3A_244 = arith.constant 0 : i32
    %dma_wait3A_245 = arith.constant 0 : i32
    %dma_wait3A_246 = tpu.memref_slice %arg2[%dma_wait3A_244, %dma_wait3A_245] : memref<8192x1024xf32, #tpu.memory_space<hbm>> -> memref<8x1024xf32, #tpu.memory_space<hbm>>
    tpu.wait_dma2 semaphore(%arg16 : memref<!tpu.dma_semaphore, #tpu.memory_space<semaphore_mem>>) src(%dma_wait3A_246 : memref<8x1024xf32, #tpu.memory_space<hbm>>) dst(%arg8 : memref<8x1024xf32, #tpu.memory_space<vmem>>)
    %add3A_247 = arith.constant 464 : i32
    %add3A_248 = arith.addi %mul3A_2, %add3A_247 : i32
    %dma_start3A_249 = arith.constant 0 : i32
    %dma_start3A_250 = tpu.memref_slice %arg4[%add3A_248, %dma_start3A_249] : memref<16384x1024xf32, #tpu.memory_space<hbm>> -> memref<8x1024xf32, #tpu.memory_space<hbm>>
    %dma_start3A_251 = arith.constant 0 : i32
    %dma_start3A_252 = tpu.memref_slice %arg4[%add3A_248, %dma_start3A_251] : memref<16384x1024xf32, #tpu.memory_space<hbm>> -> memref<8x1024xf32, #tpu.memory_space<hbm>>
    tpu.enqueue_dma source(%arg8 : memref<8x1024xf32, #tpu.memory_space<vmem>>) target(%dma_start3A_252 : memref<8x1024xf32, #tpu.memory_space<hbm>>) target_semaphore(%arg24 : memref<!tpu.dma_semaphore, #tpu.memory_space<semaphore_mem>>)
    %dma_wait3A_253 = arith.constant 0 : i32
    %dma_wait3A_254 = tpu.memref_slice %arg4[%mul3A_2, %dma_wait3A_253] : memref<16384x1024xf32, #tpu.memory_space<hbm>> -> memref<8x1024xf32, #tpu.memory_space<hbm>>
    %dma_wait3A_255 = arith.constant 0 : i32
    %dma_wait3A_256 = tpu.memref_slice %arg4[%mul3A_2, %dma_wait3A_255] : memref<16384x1024xf32, #tpu.memory_space<hbm>> -> memref<8x1024xf32, #tpu.memory_space<hbm>>
    tpu.wait_dma2 semaphore(%arg23 : memref<!tpu.dma_semaphore, #tpu.memory_space<semaphore_mem>>) src(%arg7 : memref<8x1024xf32, #tpu.memory_space<vmem>>) dst(%dma_wait3A_256 : memref<8x1024xf32, #tpu.memory_space<hbm>>)
    %dma_wait3A_257 = arith.constant 0 : i32
    %dma_wait3A_258 = arith.constant 0 : i32
    %dma_wait3A_259 = tpu.memref_slice %arg2[%dma_wait3A_257, %dma_wait3A_258] : memref<8192x1024xf32, #tpu.memory_space<hbm>> -> memref<8x1024xf32, #tpu.memory_space<hbm>>
    %dma_wait3A_260 = arith.constant 0 : i32
    %dma_wait3A_261 = arith.constant 0 : i32
    %dma_wait3A_262 = tpu.memref_slice %arg2[%dma_wait3A_260, %dma_wait3A_261] : memref<8192x1024xf32, #tpu.memory_space<hbm>> -> memref<8x1024xf32, #tpu.memory_space<hbm>>
    tpu.wait_dma2 semaphore(%arg17 : memref<!tpu.dma_semaphore, #tpu.memory_space<semaphore_mem>>) src(%dma_wait3A_262 : memref<8x1024xf32, #tpu.memory_space<hbm>>) dst(%arg9 : memref<8x1024xf32, #tpu.memory_space<vmem>>)
    %add3A_263 = arith.constant 472 : i32
    %add3A_264 = arith.addi %mul3A_2, %add3A_263 : i32
    %dma_start3A_265 = arith.constant 0 : i32
    %dma_start3A_266 = tpu.memref_slice %arg4[%add3A_264, %dma_start3A_265] : memref<16384x1024xf32, #tpu.memory_space<hbm>> -> memref<8x1024xf32, #tpu.memory_space<hbm>>
    %dma_start3A_267 = arith.constant 0 : i32
    %dma_start3A_268 = tpu.memref_slice %arg4[%add3A_264, %dma_start3A_267] : memref<16384x1024xf32, #tpu.memory_space<hbm>> -> memref<8x1024xf32, #tpu.memory_space<hbm>>
    tpu.enqueue_dma source(%arg9 : memref<8x1024xf32, #tpu.memory_space<vmem>>) target(%dma_start3A_268 : memref<8x1024xf32, #tpu.memory_space<hbm>>) target_semaphore(%arg25 : memref<!tpu.dma_semaphore, #tpu.memory_space<semaphore_mem>>)
    %dma_wait3A_269 = arith.constant 0 : i32
    %dma_wait3A_270 = tpu.memref_slice %arg4[%mul3A_2, %dma_wait3A_269] : memref<16384x1024xf32, #tpu.memory_space<hbm>> -> memref<8x1024xf32, #tpu.memory_space<hbm>>
    %dma_wait3A_271 = arith.constant 0 : i32
    %dma_wait3A_272 = tpu.memref_slice %arg4[%mul3A_2, %dma_wait3A_271] : memref<16384x1024xf32, #tpu.memory_space<hbm>> -> memref<8x1024xf32, #tpu.memory_space<hbm>>
    tpu.wait_dma2 semaphore(%arg24 : memref<!tpu.dma_semaphore, #tpu.memory_space<semaphore_mem>>) src(%arg8 : memref<8x1024xf32, #tpu.memory_space<vmem>>) dst(%dma_wait3A_272 : memref<8x1024xf32, #tpu.memory_space<hbm>>)
    %dma_wait3A_273 = arith.constant 0 : i32
    %dma_wait3A_274 = arith.constant 0 : i32
    %dma_wait3A_275 = tpu.memref_slice %arg2[%dma_wait3A_273, %dma_wait3A_274] : memref<8192x1024xf32, #tpu.memory_space<hbm>> -> memref<8x1024xf32, #tpu.memory_space<hbm>>
    %dma_wait3A_276 = arith.constant 0 : i32
    %dma_wait3A_277 = arith.constant 0 : i32
    %dma_wait3A_278 = tpu.memref_slice %arg2[%dma_wait3A_276, %dma_wait3A_277] : memref<8192x1024xf32, #tpu.memory_space<hbm>> -> memref<8x1024xf32, #tpu.memory_space<hbm>>
    tpu.wait_dma2 semaphore(%arg18 : memref<!tpu.dma_semaphore, #tpu.memory_space<semaphore_mem>>) src(%dma_wait3A_278 : memref<8x1024xf32, #tpu.memory_space<hbm>>) dst(%arg10 : memref<8x1024xf32, #tpu.memory_space<vmem>>)
    %add3A_279 = arith.constant 480 : i32
    %add3A_280 = arith.addi %mul3A_2, %add3A_279 : i32
    %dma_start3A_281 = arith.constant 0 : i32
    %dma_start3A_282 = tpu.memref_slice %arg4[%add3A_280, %dma_start3A_281] : memref<16384x1024xf32, #tpu.memory_space<hbm>> -> memref<8x1024xf32, #tpu.memory_space<hbm>>
    %dma_start3A_283 = arith.constant 0 : i32
    %dma_start3A_284 = tpu.memref_slice %arg4[%add3A_280, %dma_start3A_283] : memref<16384x1024xf32, #tpu.memory_space<hbm>> -> memref<8x1024xf32, #tpu.memory_space<hbm>>
    tpu.enqueue_dma source(%arg10 : memref<8x1024xf32, #tpu.memory_space<vmem>>) target(%dma_start3A_284 : memref<8x1024xf32, #tpu.memory_space<hbm>>) target_semaphore(%arg26 : memref<!tpu.dma_semaphore, #tpu.memory_space<semaphore_mem>>)
    %dma_wait3A_285 = arith.constant 0 : i32
    %dma_wait3A_286 = tpu.memref_slice %arg4[%mul3A_2, %dma_wait3A_285] : memref<16384x1024xf32, #tpu.memory_space<hbm>> -> memref<8x1024xf32, #tpu.memory_space<hbm>>
    %dma_wait3A_287 = arith.constant 0 : i32
    %dma_wait3A_288 = tpu.memref_slice %arg4[%mul3A_2, %dma_wait3A_287] : memref<16384x1024xf32, #tpu.memory_space<hbm>> -> memref<8x1024xf32, #tpu.memory_space<hbm>>
    tpu.wait_dma2 semaphore(%arg25 : memref<!tpu.dma_semaphore, #tpu.memory_space<semaphore_mem>>) src(%arg9 : memref<8x1024xf32, #tpu.memory_space<vmem>>) dst(%dma_wait3A_288 : memref<8x1024xf32, #tpu.memory_space<hbm>>)
    %dma_wait3A_289 = arith.constant 0 : i32
    %dma_wait3A_290 = arith.constant 0 : i32
    %dma_wait3A_291 = tpu.memref_slice %arg2[%dma_wait3A_289, %dma_wait3A_290] : memref<8192x1024xf32, #tpu.memory_space<hbm>> -> memref<8x1024xf32, #tpu.memory_space<hbm>>
    %dma_wait3A_292 = arith.constant 0 : i32
    %dma_wait3A_293 = arith.constant 0 : i32
    %dma_wait3A_294 = tpu.memref_slice %arg2[%dma_wait3A_292, %dma_wait3A_293] : memref<8192x1024xf32, #tpu.memory_space<hbm>> -> memref<8x1024xf32, #tpu.memory_space<hbm>>
    tpu.wait_dma2 semaphore(%arg19 : memref<!tpu.dma_semaphore, #tpu.memory_space<semaphore_mem>>) src(%dma_wait3A_294 : memref<8x1024xf32, #tpu.memory_space<hbm>>) dst(%arg11 : memref<8x1024xf32, #tpu.memory_space<vmem>>)
    %add3A_295 = arith.constant 488 : i32
    %add3A_296 = arith.addi %mul3A_2, %add3A_295 : i32
    %dma_start3A_297 = arith.constant 0 : i32
    %dma_start3A_298 = tpu.memref_slice %arg4[%add3A_296, %dma_start3A_297] : memref<16384x1024xf32, #tpu.memory_space<hbm>> -> memref<8x1024xf32, #tpu.memory_space<hbm>>
    %dma_start3A_299 = arith.constant 0 : i32
    %dma_start3A_300 = tpu.memref_slice %arg4[%add3A_296, %dma_start3A_299] : memref<16384x1024xf32, #tpu.memory_space<hbm>> -> memref<8x1024xf32, #tpu.memory_space<hbm>>
    tpu.enqueue_dma source(%arg11 : memref<8x1024xf32, #tpu.memory_space<vmem>>) target(%dma_start3A_300 : memref<8x1024xf32, #tpu.memory_space<hbm>>) target_semaphore(%arg27 : memref<!tpu.dma_semaphore, #tpu.memory_space<semaphore_mem>>)
    %dma_wait3A_301 = arith.constant 0 : i32
    %dma_wait3A_302 = tpu.memref_slice %arg4[%mul3A_2, %dma_wait3A_301] : memref<16384x1024xf32, #tpu.memory_space<hbm>> -> memref<8x1024xf32, #tpu.memory_space<hbm>>
    %dma_wait3A_303 = arith.constant 0 : i32
    %dma_wait3A_304 = tpu.memref_slice %arg4[%mul3A_2, %dma_wait3A_303] : memref<16384x1024xf32, #tpu.memory_space<hbm>> -> memref<8x1024xf32, #tpu.memory_space<hbm>>
    tpu.wait_dma2 semaphore(%arg26 : memref<!tpu.dma_semaphore, #tpu.memory_space<semaphore_mem>>) src(%arg10 : memref<8x1024xf32, #tpu.memory_space<vmem>>) dst(%dma_wait3A_304 : memref<8x1024xf32, #tpu.memory_space<hbm>>)
    %dma_wait3A_305 = arith.constant 0 : i32
    %dma_wait3A_306 = arith.constant 0 : i32
    %dma_wait3A_307 = tpu.memref_slice %arg2[%dma_wait3A_305, %dma_wait3A_306] : memref<8192x1024xf32, #tpu.memory_space<hbm>> -> memref<8x1024xf32, #tpu.memory_space<hbm>>
    %dma_wait3A_308 = arith.constant 0 : i32
    %dma_wait3A_309 = arith.constant 0 : i32
    %dma_wait3A_310 = tpu.memref_slice %arg2[%dma_wait3A_308, %dma_wait3A_309] : memref<8192x1024xf32, #tpu.memory_space<hbm>> -> memref<8x1024xf32, #tpu.memory_space<hbm>>
    tpu.wait_dma2 semaphore(%arg20 : memref<!tpu.dma_semaphore, #tpu.memory_space<semaphore_mem>>) src(%dma_wait3A_310 : memref<8x1024xf32, #tpu.memory_space<hbm>>) dst(%arg12 : memref<8x1024xf32, #tpu.memory_space<vmem>>)
    %add3A_311 = arith.constant 496 : i32
    %add3A_312 = arith.addi %mul3A_2, %add3A_311 : i32
    %dma_start3A_313 = arith.constant 0 : i32
    %dma_start3A_314 = tpu.memref_slice %arg4[%add3A_312, %dma_start3A_313] : memref<16384x1024xf32, #tpu.memory_space<hbm>> -> memref<8x1024xf32, #tpu.memory_space<hbm>>
    %dma_start3A_315 = arith.constant 0 : i32
    %dma_start3A_316 = tpu.memref_slice %arg4[%add3A_312, %dma_start3A_315] : memref<16384x1024xf32, #tpu.memory_space<hbm>> -> memref<8x1024xf32, #tpu.memory_space<hbm>>
    tpu.enqueue_dma source(%arg12 : memref<8x1024xf32, #tpu.memory_space<vmem>>) target(%dma_start3A_316 : memref<8x1024xf32, #tpu.memory_space<hbm>>) target_semaphore(%arg28 : memref<!tpu.dma_semaphore, #tpu.memory_space<semaphore_mem>>)
    %dma_wait3A_317 = arith.constant 0 : i32
    %dma_wait3A_318 = tpu.memref_slice %arg4[%mul3A_2, %dma_wait3A_317] : memref<16384x1024xf32, #tpu.memory_space<hbm>> -> memref<8x1024xf32, #tpu.memory_space<hbm>>
    %dma_wait3A_319 = arith.constant 0 : i32
    %dma_wait3A_320 = tpu.memref_slice %arg4[%mul3A_2, %dma_wait3A_319] : memref<16384x1024xf32, #tpu.memory_space<hbm>> -> memref<8x1024xf32, #tpu.memory_space<hbm>>
    tpu.wait_dma2 semaphore(%arg27 : memref<!tpu.dma_semaphore, #tpu.memory_space<semaphore_mem>>) src(%arg11 : memref<8x1024xf32, #tpu.memory_space<vmem>>) dst(%dma_wait3A_320 : memref<8x1024xf32, #tpu.memory_space<hbm>>)
    %dma_wait3A_321 = arith.constant 0 : i32
    %dma_wait3A_322 = arith.constant 0 : i32
    %dma_wait3A_323 = tpu.memref_slice %arg2[%dma_wait3A_321, %dma_wait3A_322] : memref<8192x1024xf32, #tpu.memory_space<hbm>> -> memref<8x1024xf32, #tpu.memory_space<hbm>>
    %dma_wait3A_324 = arith.constant 0 : i32
    %dma_wait3A_325 = arith.constant 0 : i32
    %dma_wait3A_326 = tpu.memref_slice %arg2[%dma_wait3A_324, %dma_wait3A_325] : memref<8192x1024xf32, #tpu.memory_space<hbm>> -> memref<8x1024xf32, #tpu.memory_space<hbm>>
    tpu.wait_dma2 semaphore(%arg21 : memref<!tpu.dma_semaphore, #tpu.memory_space<semaphore_mem>>) src(%dma_wait3A_326 : memref<8x1024xf32, #tpu.memory_space<hbm>>) dst(%arg13 : memref<8x1024xf32, #tpu.memory_space<vmem>>)
    %add3A_327 = arith.constant 504 : i32
    %add3A_328 = arith.addi %mul3A_2, %add3A_327 : i32
    %dma_start3A_329 = arith.constant 0 : i32
    %dma_start3A_330 = tpu.memref_slice %arg4[%add3A_328, %dma_start3A_329] : memref<16384x1024xf32, #tpu.memory_space<hbm>> -> memref<8x1024xf32, #tpu.memory_space<hbm>>
    %dma_start3A_331 = arith.constant 0 : i32
    %dma_start3A_332 = tpu.memref_slice %arg4[%add3A_328, %dma_start3A_331] : memref<16384x1024xf32, #tpu.memory_space<hbm>> -> memref<8x1024xf32, #tpu.memory_space<hbm>>
    tpu.enqueue_dma source(%arg13 : memref<8x1024xf32, #tpu.memory_space<vmem>>) target(%dma_start3A_332 : memref<8x1024xf32, #tpu.memory_space<hbm>>) target_semaphore(%arg29 : memref<!tpu.dma_semaphore, #tpu.memory_space<semaphore_mem>>)
    %dma_wait3A_333 = arith.constant 0 : i32
    %dma_wait3A_334 = tpu.memref_slice %arg4[%mul3A_2, %dma_wait3A_333] : memref<16384x1024xf32, #tpu.memory_space<hbm>> -> memref<8x1024xf32, #tpu.memory_space<hbm>>
    %dma_wait3A_335 = arith.constant 0 : i32
    %dma_wait3A_336 = tpu.memref_slice %arg4[%mul3A_2, %dma_wait3A_335] : memref<16384x1024xf32, #tpu.memory_space<hbm>> -> memref<8x1024xf32, #tpu.memory_space<hbm>>
    tpu.wait_dma2 semaphore(%arg28 : memref<!tpu.dma_semaphore, #tpu.memory_space<semaphore_mem>>) src(%arg12 : memref<8x1024xf32, #tpu.memory_space<vmem>>) dst(%dma_wait3A_336 : memref<8x1024xf32, #tpu.memory_space<hbm>>)
    %dma_wait3A_337 = arith.constant 0 : i32
    %dma_wait3A_338 = tpu.memref_slice %arg4[%mul3A_2, %dma_wait3A_337] : memref<16384x1024xf32, #tpu.memory_space<hbm>> -> memref<8x1024xf32, #tpu.memory_space<hbm>>
    %dma_wait3A_339 = arith.constant 0 : i32
    %dma_wait3A_340 = tpu.memref_slice %arg4[%mul3A_2, %dma_wait3A_339] : memref<16384x1024xf32, #tpu.memory_space<hbm>> -> memref<8x1024xf32, #tpu.memory_space<hbm>>
    tpu.wait_dma2 semaphore(%arg29 : memref<!tpu.dma_semaphore, #tpu.memory_space<semaphore_mem>>) src(%arg13 : memref<8x1024xf32, #tpu.memory_space<vmem>>) dst(%dma_wait3A_340 : memref<8x1024xf32, #tpu.memory_space<hbm>>)
    return
  }
}

</mosaic_0001>

<sc_bundles>
// kernel: kernel.3.cloned.1.call-start
scs
__scs_entry_jumppad:
0x0: {  	(pc) =	sbr.rel $0x88, $3  }
0x1: {  	(tag) =	ssettag $0x0;
	lr =	simm.s32 $0x1  }
0x2: {  	[smem:$0x3F9F] =	sst lr;
	_ =	strace $0xD0000000  }
0x3: {  	_ = 	snop  }
0x4: {  	_ = 	snop  }
0x5: {  	_ = 	snop  }
0x6: {  	_ = 	snop  }
0x7: {  	_ = 	snop  }
__scs_overlays_trampoline_lowered:
0x8: {  	[smem:$0x3FAE] =	sst s0  }
0x9: {  	[smem:$0x3FAF] =	sst s1  }
0xa: {  	[smem:$0x3FB0] =	sst s2  }
0xb: {  	[smem:$0x3FB1] =	sst s3  }
0xc: {  	[smem:$0x3FB2] =	sst s4  }
0xd: {  	[smem:$0x3FB3] =	sst s5  }
0xe: {  	[smem:$0x3FB4] =	sst s6  }
0xf: {  	[smem:$0x3FB5] =	sst s7  }
0x10: {  	[smem:$0x3FB6] =	sst s8  }
0x11: {  	[smem:$0x3FB7] =	sst s9;
	s0 =	simm.s32 @!p0 $0x0  }
0x12: {  	s1 =	sld [smem:$0x3F9D];
	s0 =	simm.s32 @p0 $0x1  }
0x13: {  	[smem:$0x3FB8] =	sst s0;
	s0 =	simm.s32 @!p1 $0x0  }
0x14: {  	s2 =	sld [smem:$0x3F9C];
	s0 =	simm.s32 @p1 $0x1  }
0x15: {  	[smem:$0x3FB9] =	sst s0;
	s0 =	simm.s32 @!p2 $0x0  }
0x16: {  	s3 =	sld [smem:$0x3FDB];
	s0 =	simm.s32 @p2 $0x1  }
0x17: {  	s4 =	simm.s32 $0x1BF5;
	[smem:$0x3FBB] =	sst s0  }
0x18: {  	s0 =	sld [smem:$0x3F9E];
	_ =	swait.ge [sflag:s4], $0x0  }
0x19: {  	s7 =	sld [smem:$0x3F9F]  }
0x1a: {  	s8 =	sadd.s32 $0xFFFFE003, lr  }
0x1b: {  	s9 =	sadd.s32 $0xFFFFFEF7, lr;
	s5 =	simm.s32 $0xFFFFFFFF;
	p2 =	slt.u32 s8, $0xFFFFF086  }
0x1c: {  	p1 =	slt.u32 s9, $0xF7A;
	s5 =	simm.s32 @!p2 $0x0  }
0x1d: {  	s5 =	simm.s32 @p1 $0x1;
	p0 =	seq.s32 s7, s2  }
0x1e: {  	s7 =	smul.u32 @!p0 $0xF7A, s2;
	p2 =	seq.s32 @!p0 s5, $0x0  }
0x1f: {  	s9 =	smul.u32 $0xF7A, s1;
	s8 =	simm.s32 @!p0 $0x1BF5;
	p2 =	por !p2, p0  }
0x20: {  	[sflag:s8] =	ssyncset.s32 @!p0 $0xFFFFF086;
	s6 =	sadd.s32 @!p0 s3, s7;
	s7 =	simm.s32 @!p0 $0x108  }
0x21: {  	s3 =	sadd.s32 s3, s9;
	s6 =	sadd.s32 @!p0 $0x88, s6;
	s7 =	simm.s32 @p2 $0x1082  }
0x22: {  	[simem:s7], [sflag:s8] =	dma.local @!p0 [hbm:s6], $0xF7A  }
0x23: {  	s9 =	sor.u32 $0xD0000000, s2;
	s6 =	simm.s32 $0x108;
	_ =	swait.ge @!p0 [sflag:s8], $0x0  }
0x24: {  	s3 =	sadd.s32 $0x88, s3;
	s6 =	simm.s32 @!p1 $0x1082;
	[sflag:s4] =	ssyncset.s32 $0xFFFFF086  }
0x25: {  	[simem:s6], [sflag:s4] =	dma.local [hbm:s3], $0xF7A  }
0x26: {  	[smem:$0x3F9F] =	sst s1;
	(tag) =	ssettag s2;
	_ =	strace s9  }
0x27: {  	s1 =	sld [smem:$0x3FAF]  }
0x28: {  	s2 =	sld [smem:$0x3FB0]  }
0x29: {  	s4 =	sld [smem:$0x3FB2]  }
0x2a: {  	p0 =	seq.s32 s5, $0x0;
	s5 =	sld [smem:$0x3FB3]  }
0x2b: {  	s6 =	sld [smem:$0x3FB4]  }
0x2c: {  	s7 =	sld [smem:$0x3FB5]  }
0x2d: {  	s3 =	simm.s32 $0x108;
	s8 =	sld [smem:$0x3FB6]  }
0x2e: {  	s3 =	simm.s32 @!p0 $0x1082;
	s9 =	sld [smem:$0x3FB7]  }
0x2f: {  	lr =	sadd.s32 s0, s3;
	s0 =	sld [smem:$0x3FAE]  }
0x30: {  	s3 =	sld [smem:$0x3FB1]  }
0x31: {  	[smem:$0x3FBA] =	sst s10  }
0x32: {  	s10 =	sld [smem:$0x3FB8];
	_ =	sdelay $0x3  }
0x33: {  	p0 =	seq.s32 s10, $0x1;
	s10 =	sld [smem:$0x3FBA];
	_ =	sdelay $0x3  }
0x34: {  	[smem:$0x3FBA] =	sst s10  }
0x35: {  	s10 =	sld [smem:$0x3FB9];
	_ =	sdelay $0x3  }
0x36: {  	p1 =	seq.s32 s10, $0x1;
	s10 =	sld [smem:$0x3FBA];
	_ =	sdelay $0x3  }
0x37: {  	[smem:$0x3FBA] =	sst s10  }
0x38: {  	s10 =	sld [smem:$0x3FBB]  }
0x39: {  	_ = 	snop;
	(pc) =	sbr.ind lr, $3  }
0x3a: {  	_ = 	snop  }
0x3b: {  	_ = 	snop  }
0x3c: {  	p2 =	seq.s32 s10, $0x1;
	s10 =	sld [smem:$0x3FBA]  }
0x3d: {  	_ =	shalt  }
0x3e: {  	_ =	shalt  }
0x3f: {  	_ =	shalt  }
0x40: {  	_ =	shalt  }
0x41: {  	_ =	shalt  }
0x42: {  	_ =	shalt  }
0x43: {  	_ =	shalt  }
0x44: {  	_ =	shalt  }
0x45: {  	_ =	shalt  }
0x46: {  	_ =	shalt  }
0x47: {  	_ =	shalt  }
0x48: {  	_ =	shalt  }
0x49: {  	_ =	shalt  }
0x4a: {  	_ =	shalt  }
0x4b: {  	_ =	shalt  }
0x4c: {  	_ =	shalt  }
0x4d: {  	_ =	shalt  }
0x4e: {  	_ =	shalt  }
0x4f: {  	_ =	shalt  }
0x50: {  	_ =	shalt  }
0x51: {  	_ =	shalt  }
0x52: {  	_ =	shalt  }
0x53: {  	_ =	shalt  }
0x54: {  	_ =	shalt  }
0x55: {  	_ =	shalt  }
0x56: {  	_ =	shalt  }
0x57: {  	_ =	shalt  }
0x58: {  	_ =	shalt  }
0x59: {  	_ =	shalt  }
0x5a: {  	_ =	shalt  }
0x5b: {  	_ =	shalt  }
0x5c: {  	_ =	shalt  }
0x5d: {  	_ =	shalt  }
0x5e: {  	_ =	shalt  }
0x5f: {  	_ =	shalt  }
0x60: {  	_ =	shalt  }
0x61: {  	_ =	shalt  }
0x62: {  	_ =	shalt  }
0x63: {  	_ =	shalt  }
0x64: {  	_ =	shalt  }
0x65: {  	_ =	shalt  }
0x66: {  	_ =	shalt  }
0x67: {  	_ =	shalt  }
0x68: {  	_ =	shalt  }
0x69: {  	_ =	shalt  }
0x6a: {  	_ =	shalt  }
0x6b: {  	_ =	shalt  }
0x6c: {  	_ =	shalt  }
0x6d: {  	_ =	shalt  }
0x6e: {  	_ =	shalt  }
0x6f: {  	_ =	shalt  }
0x70: {  	_ =	shalt  }
0x71: {  	_ =	shalt  }
0x72: {  	_ =	shalt  }
0x73: {  	_ =	shalt  }
0x74: {  	_ =	shalt  }
0x75: {  	_ =	shalt  }
0x76: {  	_ =	shalt  }
0x77: {  	_ =	shalt  }
0x78: {  	_ =	shalt  }
0x79: {  	_ =	shalt  }
0x7a: {  	_ =	shalt  }
0x7b: {  	_ =	shalt  }
0x7c: {  	_ =	shalt  }
0x7d: {  	_ =	shalt  }
0x7e: {  	_ =	shalt  }
0x7f: {  	_ =	shalt  }
0x80: {  	_ =	shalt  }
0x81: {  	_ =	shalt  }
0x82: {  	_ =	shalt  }
0x83: {  	_ =	shalt  }
0x84: {  	_ =	shalt  }
0x85: {  	_ =	shalt  }
0x86: {  	_ =	shalt  }
0x87: {  	_ =	shalt  }
.Lfunc_end0:
.L_simem_size_0:
called_computation_lowered:
.L_overlay_start_0:
0x88: {  	s2 =	sld [smem:$0x3FD9]  }
0x89: {  	s3 =	sld [smem:$0x3FFE];
	_ =	sdelay $0x1  }
0x8a: {  	s1 =	srdreg.scid  }
0x8b: {  	s0 =	sand.u32 $0x1, s1  }
0x8c: {  	s18 =	sshll.u32 s0, $0xA;
	s2 =	sadd.s32 s3, s2  }
0x8d: {  	s2 =	sadd.s32 s2, s18  }
0x8e: {  	[smem:$0x3FC6] =	sst s2  }
0x8f: {  	_ = 	snop  }
0x90: {  	s2 =	sld [smem:$0x3FC9]  }
0x91: {  	s19 =	sld [smem:$0x3FC8]  }
0x92: {  	s4 =	sld [smem:$0x3FD0];
	(tm) =	ssettm $0x1  }
0x93: {  	s5 =	sld [smem:$0x3FFB];
	_ =	sdelay $0x3  }
0x94: {  	_ =	strace s5  }
0x95: {  	s5 =	sld [smem:$0x3FFC];
	_ =	sdelay $0x3  }
0x96: {  	_ =	strace s5  }
0x97: {  	s5 =	sld [smem:$0x3FFD];
	_ =	sdelay $0x3  }
0x98: {  	_ =	strace s5  }
0x99: {  	_ =	strace $0x8FFFFFFF  }
0x9a: {  	s20 =	sld [smem:$0x3FDB];
	_ =	sdelay $0x1  }
0x9b: {  	s6 =	simm.s32 $_scs_section_size  }
0x9c: {  	s7 =	simm.s32 $_size__tile_overlayer_lowered;
	s8 =	simm.s32 $_tile_overlayer_lowered  }
0x9d: {  	s23 =	simm.s32 $0x1BFF;
	s22 =	sshll.u32 s8, $0x1;
	s5 =	sadd.s32 s6, s20  }
0x9e: {  	s9 =	simm.s32 $0x0;
	s21 =	sshll.u32 s7, $0x1;
	s7 =	sadd.s32 s22, s5  }
0x9f: {  	[timem:s9], [sflag:s23] =	dma.local [hbm:s7], s21  }
0xa0: {  	_ =	swait.ge [sflag:s23], s21  }
0xa1: {  	s6 =	ssub.s32 $0x0, s21;
	[sflag:s23] =	ssyncset.done $0x0  }
0xa2: {  	[sflag:s23] =	ssyncadd.s32 s6;
	_ =	sdelay $0x1  }
0xa3: {  	s24 =	simm.s32 $0x1B8B  }
0xa4: {  	_ =	swait.ge [sflag:s24], $0x1  }
0xa5: {  	[sflag:s24] =	ssyncset.done $0x0  }
0xa6: {  	s25 =	simm.s32 $0x1B8E;
	[sflag:s24] =	ssyncadd.s32 $0xFFFFFFFF  }
0xa7: {  	s26 =	simm.s32 $execute0_lowered;
	[smem:$0x3FD2] =	sst s25  }
0xa8: {  	s6 =	sshll.u32 s26, $0x1;
	_ =	strace $0x80000046;
	[dreg:$0x1] =	wrdreg $0xFFFFFFFF  }
0xa9: {  	s28 =	simm.s32 $_size_execute0_lowered;
	s5 =	sadd.s32 s5, s6;
	[dreg:$0x0] =	wrdreg $0x0  }
0xaa: {  	s6 =	sshll.u32 s28, $0x1;
	[dreg:$0x2] =	wrdreg s5  }
0xab: {  	[dreg:$0x3] =	wrdreg s6  }
0xac: {  	[dreg:$0x4] =	wrdreg $0xC0  }
0xad: {  	_ =	task [dreg:s9], $0x5FFFF  }
0xae: {  	[dreg:$0x1] =	wrdreg $0xFFFFFFFF  }
0xaf: {  	[dreg:$0x0] =	wrdreg $0x60  }
0xb0: {  	[dreg:$0x2] =	wrdreg s2  }
0xb1: {  	[dreg:$0x3] =	wrdreg s19  }
0xb2: {  	[dreg:$0x4] =	wrdreg s4  }
0xb3: {  	[dreg:$0x5] =	wrdreg $0x9  }
0xb4: {  	_ =	task.clear_ibuf [dreg:s9], $0x6FFFF;
	_ =	strace $0x90000046  }
0xb5: {  	s29 =	simm.s32 $0x9;
	_ =	strace $0x80000048  }
0xb6: {  	_ =	swait.ge [sflag:s29], $0x1  }
0xb7: {  	[sflag:s29] =	ssyncadd.s32 $0xFFFFFFFF  }
0xb8: {  	_ =	strace $0x90000048  }
0xb9: {  	_ =	sfence  }
0xba: {  	s30 =	sld [smem:$0x0];
	_ =	sdelay $0x2  }
0xbb: {  	s31 =	sshll.u32 s1, $0xD;
	s1 =	sshrl.u32 s1, $0x2  }
0xbc: {  	s3 =	sand.u32 $0x4000, s31;
	s1 =	sadd.s32 s1, s30  }
0xbd: {  	s0 =	sor.u32 s3, s0;
	s1 =	sshll.u32 s1, $0x11  }
0xbe: {  	s0 =	sor.u32 s1, s0  }
0xbf: {  	s0 =	sadd.s32 $0x8F2B, s0  }
0xc0: {  	[sflag:s0] =	ssyncadd.remote.s32 $0x1  }
0xc1: {  	_ =	sfence.sel $0xFFFF  }
0xc2: {  	[dreg:$0x0] =	wrdreg $0xFFFFFFFF;
	(pc) =	sbr.abs _section_cstart, $3  }
0xc3: {  	[dreg:$0x1] =	wrdreg $0xFFFFFFFF  }
0xc4: {  	_ =	task.clear_ibuf [dreg:s9], $0x2FFFF;
	_ =	strace $0x9FFFFFFF  }
0xc5: {  	(tm) =	ssettm $0x7FFFFFFF  }
tec
execute0_lowered:
.L_overlay_start_1:
0x0: {  	(tag) =	ssettag $0x1  }
0x1: {  	s1 =	rddreg [dreg:$0x0]  }
0x2: {  	s0 =	rddreg [dreg:$0x1];
	s3 =	srdreg.scid  }
0x3: {  	s2 =	rddreg [dreg:$0x2];
	s9 =	stileid.u32;
	s4 =	sand.u32 $0x1, s3  }
0x4: {  	s3 =	simm.s32 $0x0;
	s5 =	sshll.u32 s9, $0xA;
	s6 =	sshll.u32 s4, $0x9  }
0x5: {  	[smem:$0x7FF] =	sst s3;
	s5 =	sor.u32 s6, s5  }
0x6: {  	s7 =	ssub.s32 $0x2, s4;
	_ =	strace $0x80000047;
	s8 =	sshrl.u32 s5, $0x3  }
0x7: {  	s31 =	sshrl.u32 s7, $0x1;
	s10 =	sshll.u32 s5, $0x7;
	s0 =	sadd.s32 s0, s8  }
0x8: {  	s7 =	ssub.s32 s7, s31;
	s10 =	sadd.s32 s2, s10;
	[dreg:$0x5] =	wrdreg s0  }
0x9: {  	s31 =	smax.u32 s7, $0x1;
	[dreg:$0x6] =	wrdreg s10  }
0xa: {  	s0 =	sadd.s32 $0x400, s10;
	[dreg:$0x16] =	wrdreg s31  }
0xb: {  	s11 =	sadd.s32 $0x800, s10;
	[dreg:$0x7] =	wrdreg s0  }
0xc: {  	s12 =	sadd.s32 $0xC00, s10;
	[dreg:$0x8] =	wrdreg s11  }
0xd: {  	s13 =	sadd.s32 $0x1000, s10;
	[dreg:$0x9] =	wrdreg s12  }
0xe: {  	s14 =	sadd.s32 $0x1400, s10;
	[dreg:$0xa] =	wrdreg s13  }
0xf: {  	s15 =	sadd.s32 $0x1800, s10;
	[dreg:$0xb] =	wrdreg s14  }
0x10: {  	s30 =	simm.s32 $0x6A00;
	s16 =	sadd.s32 $0x1C00, s10;
	[dreg:$0xc] =	wrdreg s15  }
0x11: {  	s28 =	simm.s32 $0x8;
	s17 =	sadd.s32 $0xE000, s10;
	[dreg:$0xd] =	wrdreg s16  }
0x12: {  	s29 =	simm.s32 $0xF;
	s18 =	sadd.s32 $0xE400, s10;
	[dreg:$0xe] =	wrdreg s17  }
0x13: {  	s23 =	sshll.u32 s9, $0x11;
	s19 =	sadd.s32 $0xE800, s10;
	[dreg:$0xf] =	wrdreg s18  }
0x14: {  	s25 =	sshll.u32 s4, $0x10;
	s20 =	sadd.s32 $0xEC00, s10;
	[dreg:$0x10] =	wrdreg s19  }
0x15: {  	s6 =	sadd.s32 $0x200, s1;
	s21 =	sadd.s32 $0xF000, s10;
	[dreg:$0x11] =	wrdreg s20  }
0x16: {  	s5 =	sadd.s32 $0x100, s1;
	s22 =	sadd.s32 $0xF400, s10;
	[dreg:$0x12] =	wrdreg s21  }
0x17: {  	s8 =	sadd.s32 $0x300, s1;
	s24 =	sadd.s32 $0xF800, s10;
	[dreg:$0x13] =	wrdreg s22  }
0x18: {  	s7 =	simm.s32 $0x0;
	s26 =	sadd.s32 $0xFC00, s10;
	[dreg:$0x14] =	wrdreg s24  }
0x19: {  	s10 =	simm.s32 $0x1200;
	s0 =	sadd.s32 s23, s2;
	[dreg:$0x15] =	wrdreg s26  }
0x1a: {  	s13 =	simm.s32 $0xA00;
	s17 =	simm.s32 $0x1A00;
	s21 =	simm.s32 $0x3200  }
0x1b: {  	s26 =	simm.s32 $0x3A00;
	s12 =	simm.s32 $0x8A00;
	s11 =	simm.s32 $0x9200  }
0x1c: {  	s14 =	simm.s32 $0xAA00;
	s15 =	simm.s32 $0xCA00;
	s19 =	simm.s32 $0x5  }
0x1d: {  	v0 =	vlaneseq.u32;
	s20 =	simm.s32 $0xC;
	s22 =	simm.s32 $0x6;
	s23 =	simm.s32 $0xD  }
0x1e: {  	v1 =	vshrl.u32 v0, $0x3;
	s24 =	simm.s32 $0x7;
	s2 =	simm.s32 $0x10;
	s0 =	sadd.s32 s25, s0  }
0x1f: {  	vm0 =	vmmov $0xffff;
	v0 =	vand.u32 $0x7, v0;
	v1 =	vmul.u32 $0x8, v1;
	s25 =	simm.s32 $0xE;
	[dreg:$0x4] =	wrdreg s0;
	s0 =	simm.s32 $0x2A00  }
.LBB2_1:
0x20: {  	[dreg:$0x17] =	wrdreg s7  }
0x21: {  	s4 =	rddreg [dreg:$0x5];
	s16 =	simm.s32 $0x11  }
0x22: {  	[tilespmem:s3], [sflag:$0x11] =	stream.linear.gather [hbm4b:s4+s3], $0x200, $0x38;
	[tilespmem:$0x10200] =	vst v63  }
0x23: {  	_ =	swait.ge [sflag:s16], $0x200  }
0x24: {  	[sflag:s16] =	ssyncset.done $0x0  }
0x25: {  	[sflag:s16] =	ssyncadd.s32 $0xFFFFFE00  }
0x26: {  	v2 =	vld.msk [tilespmem:$0x0], $0xff;
	_ =	sdelay $0x4  }
0x27: {  	v3 =	vshll.u32 v2, $0x3  }
0x28: {  	v2 =	vand.u32 $0x7, v2;
	v3 =	vand.u32 $0xFFFFFFC0, v3  }
0x29: {  	v2 =	vor.u32 v2, v3  }
0x2a: {  	v2 =	vperm.xlane v2, v0;
	_ =	sdelay $0x1  }
0x2b: {  	v2 =	vadd.s32 v1, v2;
	_ =	sdelay $0x3  }
0x2c: {  	s9 =	simm.s32 $0x200  }
0x2d: {  	[tilespmem:s9], [sflag:$0x1] =	stream.indirect_vreg.gather [hbm4b:s1+s3], $0x80, v2, vm0, $0xb8;
	[tilespmem:$0x10200] =	vst v63  }
0x2e: {  	_ = 	snop  }
0x2f: {  	[tilespmem:s13], [sflag:$0x1] =	stream.indirect_vreg.gather [hbm4b:s5+s3], $0x80, v2, vm0, $0xb8;
	[tilespmem:$0x10200] =	vst v63  }
0x30: {  	_ = 	snop  }
0x31: {  	[tilespmem:s10], [sflag:$0x1] =	stream.indirect_vreg.gather [hbm4b:s6+s3], $0x80, v2, vm0, $0xb8;
	[tilespmem:$0x10200] =	vst v63  }
0x32: {  	_ = 	snop  }
0x33: {  	[tilespmem:s17], [sflag:$0x1] =	stream.indirect_vreg.gather [hbm4b:s8+s3], $0x80, v2, vm0, $0xb8;
	[tilespmem:$0x10200] =	vst v63  }
0x34: {  	v2 =	vld.msk [tilespmem:$0x8], $0xff;
	_ =	sdelay $0x4  }
0x35: {  	v3 =	vshll.u32 v2, $0x3  }
0x36: {  	v2 =	vand.u32 $0x7, v2;
	v3 =	vand.u32 $0xFFFFFFC0, v3  }
0x37: {  	v2 =	vor.u32 v2, v3  }
0x38: {  	v2 =	vperm.xlane v2, v0;
	_ =	sdelay $0x1  }
0x39: {  	v2 =	vadd.s32 v1, v2;
	_ =	sdelay $0x3  }
0x3a: {  	s7 =	simm.s32 $0x2200  }
0x3b: {  	[tilespmem:s7], [sflag:$0x2] =	stream.indirect_vreg.gather [hbm4b:s1+s3], $0x80, v2, vm0, $0xb8;
	[tilespmem:$0x10200] =	vst v63  }
0x3c: {  	_ = 	snop  }
0x3d: {  	[tilespmem:s0], [sflag:$0x2] =	stream.indirect_vreg.gather [hbm4b:s5+s3], $0x80, v2, vm0, $0xb8;
	[tilespmem:$0x10200] =	vst v63  }
0x3e: {  	_ = 	snop  }
0x3f: {  	[tilespmem:s21], [sflag:$0x2] =	stream.indirect_vreg.gather [hbm4b:s6+s3], $0x80, v2, vm0, $0xb8;
	[tilespmem:$0x10200] =	vst v63  }
0x40: {  	_ = 	snop  }
0x41: {  	[tilespmem:s26], [sflag:$0x2] =	stream.indirect_vreg.gather [hbm4b:s8+s3], $0x80, v2, vm0, $0xb8;
	[tilespmem:$0x10200] =	vst v63  }
0x42: {  	v2 =	vld.msk [tilespmem:$0x10], $0xff;
	_ =	sdelay $0x4  }
0x43: {  	v3 =	vshll.u32 v2, $0x3  }
0x44: {  	v2 =	vand.u32 $0x7, v2;
	v3 =	vand.u32 $0xFFFFFFC0, v3  }
0x45: {  	v2 =	vor.u32 v2, v3  }
0x46: {  	v2 =	vperm.xlane v2, v0;
	_ =	sdelay $0x1  }
0x47: {  	v2 =	vadd.s32 v1, v2;
	_ =	sdelay $0x3  }
0x48: {  	s31 =	simm.s32 $0x4200  }
0x49: {  	[tilespmem:s31], [sflag:$0x3] =	stream.indirect_vreg.gather [hbm4b:s1+s3], $0x80, v2, vm0, $0xb8;
	[tilespmem:$0x10200] =	vst v63  }
0x4a: {  	s16 =	simm.s32 $0x4A00  }
0x4b: {  	[tilespmem:s16], [sflag:$0x3] =	stream.indirect_vreg.gather [hbm4b:s5+s3], $0x80, v2, vm0, $0xb8;
	[tilespmem:$0x10200] =	vst v63  }
0x4c: {  	s18 =	simm.s32 $0x5200  }
0x4d: {  	[tilespmem:s18], [sflag:$0x3] =	stream.indirect_vreg.gather [hbm4b:s6+s3], $0x80, v2, vm0, $0xb8;
	[tilespmem:$0x10200] =	vst v63  }
0x4e: {  	s18 =	simm.s32 $0x5A00  }
0x4f: {  	[tilespmem:s18], [sflag:$0x3] =	stream.indirect_vreg.gather [hbm4b:s8+s3], $0x80, v2, vm0, $0xb8;
	[tilespmem:$0x10200] =	vst v63  }
0x50: {  	v2 =	vld.msk [tilespmem:$0x18], $0xff;
	_ =	sdelay $0x4  }
0x51: {  	v3 =	vshll.u32 v2, $0x3  }
0x52: {  	v2 =	vand.u32 $0x7, v2;
	v3 =	vand.u32 $0xFFFFFFC0, v3  }
0x53: {  	v2 =	vor.u32 v2, v3  }
0x54: {  	v2 =	vperm.xlane v2, v0;
	_ =	sdelay $0x1  }
0x55: {  	v2 =	vadd.s32 v1, v2;
	_ =	sdelay $0x3  }
0x56: {  	s18 =	simm.s32 $0x6200  }
0x57: {  	[tilespmem:s18], [sflag:$0x4] =	stream.indirect_vreg.gather [hbm4b:s1+s3], $0x80, v2, vm0, $0xb8;
	[tilespmem:$0x10200] =	vst v63  }
0x58: {  	_ = 	snop  }
0x59: {  	[tilespmem:s30], [sflag:$0x4] =	stream.indirect_vreg.gather [hbm4b:s5+s3], $0x80, v2, vm0, $0xb8;
	[tilespmem:$0x10200] =	vst v63  }
0x5a: {  	s4 =	simm.s32 $0x7200  }
0x5b: {  	[tilespmem:s4], [sflag:$0x4] =	stream.indirect_vreg.gather [hbm4b:s6+s3], $0x80, v2, vm0, $0xb8;
	[tilespmem:$0x10200] =	vst v63  }
0x5c: {  	s4 =	simm.s32 $0x7A00  }
0x5d: {  	[tilespmem:s4], [sflag:$0x4] =	stream.indirect_vreg.gather [hbm4b:s8+s3], $0x80, v2, vm0, $0xb8;
	[tilespmem:$0x10200] =	vst v63  }
0x5e: {  	v2 =	vld.msk [tilespmem:$0x20], $0xff;
	_ =	sdelay $0x4  }
0x5f: {  	v3 =	vshll.u32 v2, $0x3  }
0x60: {  	v2 =	vand.u32 $0x7, v2;
	v3 =	vand.u32 $0xFFFFFFC0, v3  }
0x61: {  	v2 =	vor.u32 v2, v3  }
0x62: {  	v2 =	vperm.xlane v2, v0;
	_ =	sdelay $0x1  }
0x63: {  	v2 =	vadd.s32 v1, v2;
	_ =	sdelay $0x3  }
0x64: {  	s4 =	simm.s32 $0x8200  }
0x65: {  	[tilespmem:s4], [sflag:$0x5] =	stream.indirect_vreg.gather [hbm4b:s1+s3], $0x80, v2, vm0, $0xb8;
	[tilespmem:$0x10200] =	vst v63  }
0x66: {  	_ = 	snop  }
0x67: {  	[tilespmem:s12], [sflag:$0x5] =	stream.indirect_vreg.gather [hbm4b:s5+s3], $0x80, v2, vm0, $0xb8;
	[tilespmem:$0x10200] =	vst v63  }
0x68: {  	_ = 	snop  }
0x69: {  	[tilespmem:s11], [sflag:$0x5] =	stream.indirect_vreg.gather [hbm4b:s6+s3], $0x80, v2, vm0, $0xb8;
	[tilespmem:$0x10200] =	vst v63  }
0x6a: {  	s4 =	simm.s32 $0x9A00  }
0x6b: {  	[tilespmem:s4], [sflag:$0x5] =	stream.indirect_vreg.gather [hbm4b:s8+s3], $0x80, v2, vm0, $0xb8;
	[tilespmem:$0x10200] =	vst v63  }
0x6c: {  	v2 =	vld.msk [tilespmem:$0x28], $0xff;
	_ =	sdelay $0x4  }
0x6d: {  	v3 =	vshll.u32 v2, $0x3  }
0x6e: {  	v2 =	vand.u32 $0x7, v2;
	v3 =	vand.u32 $0xFFFFFFC0, v3  }
0x6f: {  	v2 =	vor.u32 v2, v3  }
0x70: {  	v2 =	vperm.xlane v2, v0;
	_ =	sdelay $0x1  }
0x71: {  	v2 =	vadd.s32 v1, v2;
	_ =	sdelay $0x3  }
0x72: {  	s4 =	simm.s32 $0xA200  }
0x73: {  	[tilespmem:s4], [sflag:$0x6] =	stream.indirect_vreg.gather [hbm4b:s1+s3], $0x80, v2, vm0, $0xb8;
	[tilespmem:$0x10200] =	vst v63  }
0x74: {  	_ = 	snop  }
0x75: {  	[tilespmem:s14], [sflag:$0x6] =	stream.indirect_vreg.gather [hbm4b:s5+s3], $0x80, v2, vm0, $0xb8;
	[tilespmem:$0x10200] =	vst v63  }
0x76: {  	s4 =	simm.s32 $0xB200  }
0x77: {  	[tilespmem:s4], [sflag:$0x6] =	stream.indirect_vreg.gather [hbm4b:s6+s3], $0x80, v2, vm0, $0xb8;
	[tilespmem:$0x10200] =	vst v63  }
0x78: {  	s4 =	simm.s32 $0xBA00  }
0x79: {  	[tilespmem:s4], [sflag:$0x6] =	stream.indirect_vreg.gather [hbm4b:s8+s3], $0x80, v2, vm0, $0xb8;
	[tilespmem:$0x10200] =	vst v63  }
0x7a: {  	v2 =	vld.msk [tilespmem:$0x30], $0xff;
	_ =	sdelay $0x4  }
0x7b: {  	v3 =	vshll.u32 v2, $0x3  }
0x7c: {  	v2 =	vand.u32 $0x7, v2;
	v3 =	vand.u32 $0xFFFFFFC0, v3  }
0x7d: {  	v2 =	vor.u32 v2, v3  }
0x7e: {  	v2 =	vperm.xlane v2, v0;
	_ =	sdelay $0x1  }
0x7f: {  	v2 =	vadd.s32 v1, v2;
	_ =	sdelay $0x3  }
0x80: {  	s4 =	simm.s32 $0xC200  }
0x81: {  	[tilespmem:s4], [sflag:$0x7] =	stream.indirect_vreg.gather [hbm4b:s1+s3], $0x80, v2, vm0, $0xb8;
	[tilespmem:$0x10200] =	vst v63  }
0x82: {  	_ = 	snop  }
0x83: {  	[tilespmem:s15], [sflag:$0x7] =	stream.indirect_vreg.gather [hbm4b:s5+s3], $0x80, v2, vm0, $0xb8;
	[tilespmem:$0x10200] =	vst v63  }
0x84: {  	s4 =	simm.s32 $0xD200  }
0x85: {  	[tilespmem:s4], [sflag:$0x7] =	stream.indirect_vreg.gather [hbm4b:s6+s3], $0x80, v2, vm0, $0xb8;
	[tilespmem:$0x10200] =	vst v63  }
0x86: {  	s4 =	simm.s32 $0xDA00  }
0x87: {  	[tilespmem:s4], [sflag:$0x7] =	stream.indirect_vreg.gather [hbm4b:s8+s3], $0x80, v2, vm0, $0xb8;
	[tilespmem:$0x10200] =	vst v63  }
0x88: {  	s4 =	simm.s32 $0x1  }
0x89: {  	_ =	swait.ge [sflag:s4], $0x2000  }
0x8a: {  	[sflag:s4] =	ssyncset.done $0x0  }
0x8b: {  	[sflag:s4] =	ssyncadd.s32 $0xFFFFE000;
	s4 =	rddreg [dreg:$0x6]  }
0x8c: {  	[hbm4b:s4+s3] =	stream.linear.scatter [tilespmem:s9], [sflag:$0x9], $0x2000, $0x38;
	[tilespmem:$0x10200] =	vst v63  }
0x8d: {  	v2 =	vld.msk [tilespmem:$0x38], $0xff;
	_ =	sdelay $0x4  }
0x8e: {  	v3 =	vshll.u32 v2, $0x3  }
0x8f: {  	v2 =	vand.u32 $0x7, v2;
	v3 =	vand.u32 $0xFFFFFFC0, v3  }
0x90: {  	v2 =	vor.u32 v2, v3  }
0x91: {  	v2 =	vperm.xlane v2, v0;
	_ =	sdelay $0x1  }
0x92: {  	v2 =	vadd.s32 v1, v2;
	_ =	sdelay $0x3  }
0x93: {  	s4 =	simm.s32 $0xE200  }
0x94: {  	[tilespmem:s4], [sflag:$0x8] =	stream.indirect_vreg.gather [hbm4b:s1+s3], $0x80, v2, vm0, $0xb8;
	[tilespmem:$0x10200] =	vst v63  }
0x95: {  	s4 =	simm.s32 $0xEA00  }
0x96: {  	[tilespmem:s4], [sflag:$0x8] =	stream.indirect_vreg.gather [hbm4b:s5+s3], $0x80, v2, vm0, $0xb8;
	[tilespmem:$0x10200] =	vst v63  }
0x97: {  	s4 =	simm.s32 $0xF200  }
0x98: {  	[tilespmem:s4], [sflag:$0x8] =	stream.indirect_vreg.gather [hbm4b:s6+s3], $0x80, v2, vm0, $0xb8;
	[tilespmem:$0x10200] =	vst v63  }
0x99: {  	s4 =	simm.s32 $0xFA00  }
0x9a: {  	[tilespmem:s4], [sflag:$0x8] =	stream.indirect_vreg.gather [hbm4b:s8+s3], $0x80, v2, vm0, $0xb8;
	[tilespmem:$0x10200] =	vst v63  }
0x9b: {  	s4 =	simm.s32 $0x2  }
0x9c: {  	_ =	swait.ge [sflag:s4], $0x2000  }
0x9d: {  	[sflag:s4] =	ssyncset.done $0x0  }
0x9e: {  	[sflag:s4] =	ssyncadd.s32 $0xFFFFE000;
	s4 =	rddreg [dreg:$0x7]  }
0x9f: {  	[hbm4b:s4+s3] =	stream.linear.scatter [tilespmem:s7], [sflag:$0xA], $0x2000, $0x38;
	[tilespmem:$0x10200] =	vst v63  }
0xa0: {  	s4 =	simm.s32 $0x9  }
0xa1: {  	_ =	swait.ge [sflag:s4], $0x2000  }
0xa2: {  	[sflag:s4] =	ssyncset.done $0x0  }
0xa3: {  	[sflag:s4] =	ssyncadd.s32 $0xFFFFE000  }
0xa4: {  	v2 =	vld.msk [tilespmem:$0x40], $0xff;
	_ =	sdelay $0x4  }
0xa5: {  	v3 =	vshll.u32 v2, $0x3  }
0xa6: {  	v2 =	vand.u32 $0x7, v2;
	v3 =	vand.u32 $0xFFFFFFC0, v3  }
0xa7: {  	v2 =	vor.u32 v2, v3  }
0xa8: {  	v2 =	vperm.xlane v2, v0;
	_ =	sdelay $0x1  }
0xa9: {  	v2 =	vadd.s32 v1, v2;
	_ =	sdelay $0x4  }
0xaa: {  	[tilespmem:s9], [sflag:$0x1] =	stream.indirect_vreg.gather [hbm4b:s1+s3], $0x80, v2, vm0, $0xb8;
	[tilespmem:$0x10200] =	vst v63  }
0xab: {  	_ = 	snop  }
0xac: {  	[tilespmem:s13], [sflag:$0x1] =	stream.indirect_vreg.gather [hbm4b:s5+s3], $0x80, v2, vm0, $0xb8;
	[tilespmem:$0x10200] =	vst v63  }
0xad: {  	_ = 	snop  }
0xae: {  	[tilespmem:s10], [sflag:$0x1] =	stream.indirect_vreg.gather [hbm4b:s6+s3], $0x80, v2, vm0, $0xb8;
	[tilespmem:$0x10200] =	vst v63  }
0xaf: {  	s10 =	simm.s32 $0x3  }
0xb0: {  	[tilespmem:s17], [sflag:$0x1] =	stream.indirect_vreg.gather [hbm4b:s8+s3], $0x80, v2, vm0, $0xb8;
	[tilespmem:$0x10200] =	vst v63  }
0xb1: {  	_ =	swait.ge [sflag:s10], $0x2000  }
0xb2: {  	[sflag:s10] =	ssyncset.done $0x0  }
0xb3: {  	s17 =	simm.s32 $0xA;
	s13 =	rddreg [dreg:$0x8];
	[sflag:s10] =	ssyncadd.s32 $0xFFFFE000  }
0xb4: {  	[hbm4b:s13+s3] =	stream.linear.scatter [tilespmem:s31], [sflag:$0xB], $0x2000, $0x38;
	[tilespmem:$0x10200] =	vst v63  }
0xb5: {  	_ =	swait.ge [sflag:s17], $0x2000  }
0xb6: {  	[sflag:s17] =	ssyncset.done $0x0  }
0xb7: {  	[sflag:s17] =	ssyncadd.s32 $0xFFFFE000  }
0xb8: {  	v2 =	vld.msk [tilespmem:$0x48], $0xff;
	_ =	sdelay $0x4  }
0xb9: {  	v3 =	vshll.u32 v2, $0x3  }
0xba: {  	v2 =	vand.u32 $0x7, v2;
	v3 =	vand.u32 $0xFFFFFFC0, v3  }
0xbb: {  	v2 =	vor.u32 v2, v3  }
0xbc: {  	v2 =	vperm.xlane v2, v0;
	_ =	sdelay $0x1  }
0xbd: {  	v2 =	vadd.s32 v1, v2;
	_ =	sdelay $0x4  }
0xbe: {  	[tilespmem:s7], [sflag:$0x2] =	stream.indirect_vreg.gather [hbm4b:s1+s3], $0x80, v2, vm0, $0xb8;
	[tilespmem:$0x10200] =	vst v63  }
0xbf: {  	_ = 	snop  }
0xc0: {  	[tilespmem:s0], [sflag:$0x2] =	stream.indirect_vreg.gather [hbm4b:s5+s3], $0x80, v2, vm0, $0xb8;
	[tilespmem:$0x10200] =	vst v63  }
0xc1: {  	_ = 	snop  }
0xc2: {  	[tilespmem:s21], [sflag:$0x2] =	stream.indirect_vreg.gather [hbm4b:s6+s3], $0x80, v2, vm0, $0xb8;
	[tilespmem:$0x10200] =	vst v63  }
0xc3: {  	s9 =	simm.s32 $0x4  }
0xc4: {  	[tilespmem:s26], [sflag:$0x2] =	stream.indirect_vreg.gather [hbm4b:s8+s3], $0x80, v2, vm0, $0xb8;
	[tilespmem:$0x10200] =	vst v63  }
0xc5: {  	_ =	swait.ge [sflag:s9], $0x2000  }
0xc6: {  	s18 =	simm.s32 $0x6200;
	[sflag:s9] =	ssyncset.done $0x0  }
0xc7: {  	s13 =	simm.s32 $0xB;
	s10 =	rddreg [dreg:$0x9];
	[sflag:s9] =	ssyncadd.s32 $0xFFFFE000  }
0xc8: {  	[hbm4b:s10+s3] =	stream.linear.scatter [tilespmem:s18], [sflag:$0xC], $0x2000, $0x38;
	[tilespmem:$0x10200] =	vst v63  }
0xc9: {  	_ =	swait.ge [sflag:s13], $0x2000  }
0xca: {  	[sflag:s13] =	ssyncset.done $0x0  }
0xcb: {  	[sflag:s13] =	ssyncadd.s32 $0xFFFFE000  }
0xcc: {  	v2 =	vld.msk [tilespmem:$0x50], $0xff;
	_ =	sdelay $0x4  }
0xcd: {  	v3 =	vshll.u32 v2, $0x3  }
0xce: {  	v2 =	vand.u32 $0x7, v2;
	v3 =	vand.u32 $0xFFFFFFC0, v3  }
0xcf: {  	v2 =	vor.u32 v2, v3  }
0xd0: {  	v2 =	vperm.xlane v2, v0;
	_ =	sdelay $0x1  }
0xd1: {  	v2 =	vadd.s32 v1, v2;
	_ =	sdelay $0x4  }
0xd2: {  	[tilespmem:s31], [sflag:$0x3] =	stream.indirect_vreg.gather [hbm4b:s1+s3], $0x80, v2, vm0, $0xb8;
	[tilespmem:$0x10200] =	vst v63  }
0xd3: {  	_ = 	snop  }
0xd4: {  	[tilespmem:s16], [sflag:$0x3] =	stream.indirect_vreg.gather [hbm4b:s5+s3], $0x80, v2, vm0, $0xb8;
	[tilespmem:$0x10200] =	vst v63  }
0xd5: {  	s16 =	simm.s32 $0x5200  }
0xd6: {  	[tilespmem:s16], [sflag:$0x3] =	stream.indirect_vreg.gather [hbm4b:s6+s3], $0x80, v2, vm0, $0xb8;
	[tilespmem:$0x10200] =	vst v63  }
0xd7: {  	s17 =	simm.s32 $0x5A00  }
0xd8: {  	[tilespmem:s17], [sflag:$0x3] =	stream.indirect_vreg.gather [hbm4b:s8+s3], $0x80, v2, vm0, $0xb8;
	[tilespmem:$0x10200] =	vst v63  }
0xd9: {  	_ =	swait.ge [sflag:s19], $0x2000  }
0xda: {  	[sflag:s19] =	ssyncset.done $0x0  }
0xdb: {  	s26 =	simm.s32 $0x8200;
	s21 =	rddreg [dreg:$0xa];
	[sflag:s19] =	ssyncadd.s32 $0xFFFFE000  }
0xdc: {  	[hbm4b:s21+s3] =	stream.linear.scatter [tilespmem:s26], [sflag:$0xD], $0x2000, $0x38;
	[tilespmem:$0x10200] =	vst v63  }
0xdd: {  	_ =	swait.ge [sflag:s20], $0x2000  }
0xde: {  	[sflag:s20] =	ssyncset.done $0x0  }
0xdf: {  	[sflag:s20] =	ssyncadd.s32 $0xFFFFE000  }
0xe0: {  	v2 =	vld.msk [tilespmem:$0x58], $0xff;
	_ =	sdelay $0x4  }
0xe1: {  	v3 =	vshll.u32 v2, $0x3  }
0xe2: {  	v2 =	vand.u32 $0x7, v2;
	v3 =	vand.u32 $0xFFFFFFC0, v3  }
0xe3: {  	v2 =	vor.u32 v2, v3  }
0xe4: {  	v2 =	vperm.xlane v2, v0;
	_ =	sdelay $0x1  }
0xe5: {  	v2 =	vadd.s32 v1, v2;
	_ =	sdelay $0x4  }
0xe6: {  	[tilespmem:s18], [sflag:$0x4] =	stream.indirect_vreg.gather [hbm4b:s1+s3], $0x80, v2, vm0, $0xb8;
	[tilespmem:$0x10200] =	vst v63  }
0xe7: {  	_ = 	snop  }
0xe8: {  	[tilespmem:s30], [sflag:$0x4] =	stream.indirect_vreg.gather [hbm4b:s5+s3], $0x80, v2, vm0, $0xb8;
	[tilespmem:$0x10200] =	vst v63  }
0xe9: {  	s31 =	simm.s32 $0x7200  }
0xea: {  	[tilespmem:s31], [sflag:$0x4] =	stream.indirect_vreg.gather [hbm4b:s6+s3], $0x80, v2, vm0, $0xb8;
	[tilespmem:$0x10200] =	vst v63  }
0xeb: {  	s7 =	simm.s32 $0x7A00  }
0xec: {  	[tilespmem:s7], [sflag:$0x4] =	stream.indirect_vreg.gather [hbm4b:s8+s3], $0x80, v2, vm0, $0xb8;
	[tilespmem:$0x10200] =	vst v63  }
0xed: {  	_ =	swait.ge [sflag:s22], $0x2000  }
0xee: {  	[sflag:s22] =	ssyncset.done $0x0  }
0xef: {  	s10 =	simm.s32 $0xA200;
	s9 =	rddreg [dreg:$0xb];
	[sflag:s22] =	ssyncadd.s32 $0xFFFFE000  }
0xf0: {  	[hbm4b:s9+s3] =	stream.linear.scatter [tilespmem:s10], [sflag:$0xE], $0x2000, $0x38;
	[tilespmem:$0x10200] =	vst v63  }
0xf1: {  	_ =	swait.ge [sflag:s23], $0x2000  }
0xf2: {  	[sflag:s23] =	ssyncset.done $0x0  }
0xf3: {  	[sflag:s23] =	ssyncadd.s32 $0xFFFFE000  }
0xf4: {  	v2 =	vld.msk [tilespmem:$0x60], $0xff;
	_ =	sdelay $0x4  }
0xf5: {  	v3 =	vshll.u32 v2, $0x3  }
0xf6: {  	v2 =	vand.u32 $0x7, v2;
	v3 =	vand.u32 $0xFFFFFFC0, v3  }
0xf7: {  	v2 =	vor.u32 v2, v3  }
0xf8: {  	v2 =	vperm.xlane v2, v0;
	_ =	sdelay $0x1  }
0xf9: {  	v2 =	vadd.s32 v1, v2;
	_ =	sdelay $0x4  }
0xfa: {  	[tilespmem:s26], [sflag:$0x5] =	stream.indirect_vreg.gather [hbm4b:s1+s3], $0x80, v2, vm0, $0xb8;
	[tilespmem:$0x10200] =	vst v63  }
0xfb: {  	_ = 	snop  }
0xfc: {  	[tilespmem:s12], [sflag:$0x5] =	stream.indirect_vreg.gather [hbm4b:s5+s3], $0x80, v2, vm0, $0xb8;
	[tilespmem:$0x10200] =	vst v63  }
0xfd: {  	_ = 	snop  }
0xfe: {  	[tilespmem:s11], [sflag:$0x5] =	stream.indirect_vreg.gather [hbm4b:s6+s3], $0x80, v2, vm0, $0xb8;
	[tilespmem:$0x10200] =	vst v63  }
0xff: {  	s12 =	simm.s32 $0x9A00  }
0x100: {  	[tilespmem:s12], [sflag:$0x5] =	stream.indirect_vreg.gather [hbm4b:s8+s3], $0x80, v2, vm0, $0xb8;
	[tilespmem:$0x10200] =	vst v63  }
0x101: {  	_ =	swait.ge [sflag:s24], $0x2000  }
0x102: {  	[sflag:s24] =	ssyncset.done $0x0  }
0x103: {  	s16 =	simm.s32 $0xC200;
	s13 =	rddreg [dreg:$0xc];
	[sflag:s24] =	ssyncadd.s32 $0xFFFFE000  }
0x104: {  	[hbm4b:s13+s3] =	stream.linear.scatter [tilespmem:s16], [sflag:$0xF], $0x2000, $0x38;
	[tilespmem:$0x10200] =	vst v63  }
0x105: {  	_ =	swait.ge [sflag:s25], $0x2000  }
0x106: {  	[sflag:s25] =	ssyncset.done $0x0  }
0x107: {  	[sflag:s25] =	ssyncadd.s32 $0xFFFFE000  }
0x108: {  	v2 =	vld.msk [tilespmem:$0x68], $0xff;
	_ =	sdelay $0x4  }
0x109: {  	v3 =	vshll.u32 v2, $0x3  }
0x10a: {  	v2 =	vand.u32 $0x7, v2;
	v3 =	vand.u32 $0xFFFFFFC0, v3  }
0x10b: {  	v2 =	vor.u32 v2, v3  }
0x10c: {  	v2 =	vperm.xlane v2, v0;
	_ =	sdelay $0x1  }
0x10d: {  	v2 =	vadd.s32 v1, v2;
	_ =	sdelay $0x4  }
0x10e: {  	[tilespmem:s10], [sflag:$0x6] =	stream.indirect_vreg.gather [hbm4b:s1+s3], $0x80, v2, vm0, $0xb8;
	[tilespmem:$0x10200] =	vst v63  }
0x10f: {  	_ = 	snop  }
0x110: {  	[tilespmem:s14], [sflag:$0x6] =	stream.indirect_vreg.gather [hbm4b:s5+s3], $0x80, v2, vm0, $0xb8;
	[tilespmem:$0x10200] =	vst v63  }
0x111: {  	s17 =	simm.s32 $0xB200  }
0x112: {  	[tilespmem:s17], [sflag:$0x6] =	stream.indirect_vreg.gather [hbm4b:s6+s3], $0x80, v2, vm0, $0xb8;
	[tilespmem:$0x10200] =	vst v63  }
0x113: {  	s18 =	simm.s32 $0xBA00  }
0x114: {  	[tilespmem:s18], [sflag:$0x6] =	stream.indirect_vreg.gather [hbm4b:s8+s3], $0x80, v2, vm0, $0xb8;
	[tilespmem:$0x10200] =	vst v63  }
0x115: {  	_ =	swait.ge [sflag:s28], $0x2000  }
0x116: {  	[sflag:s28] =	ssyncset.done $0x0  }
0x117: {  	s26 =	simm.s32 $0xE200;
	s21 =	rddreg [dreg:$0xd];
	[sflag:s28] =	ssyncadd.s32 $0xFFFFE000  }
0x118: {  	[hbm4b:s21+s3] =	stream.linear.scatter [tilespmem:s26], [sflag:$0x10], $0x2000, $0x38;
	[tilespmem:$0x10200] =	vst v63  }
0x119: {  	_ =	swait.ge [sflag:s29], $0x2000  }
0x11a: {  	[sflag:s29] =	ssyncset.done $0x0  }
0x11b: {  	[sflag:s29] =	ssyncadd.s32 $0xFFFFE000  }
0x11c: {  	v2 =	vld.msk [tilespmem:$0x70], $0xff;
	_ =	sdelay $0x4  }
0x11d: {  	v3 =	vshll.u32 v2, $0x3  }
0x11e: {  	v2 =	vand.u32 $0x7, v2;
	v3 =	vand.u32 $0xFFFFFFC0, v3  }
0x11f: {  	v2 =	vor.u32 v2, v3  }
0x120: {  	v2 =	vperm.xlane v2, v0;
	_ =	sdelay $0x1  }
0x121: {  	v2 =	vadd.s32 v1, v2;
	_ =	sdelay $0x4  }
0x122: {  	[tilespmem:s16], [sflag:$0x7] =	stream.indirect_vreg.gather [hbm4b:s1+s3], $0x80, v2, vm0, $0xb8;
	[tilespmem:$0x10200] =	vst v63  }
0x123: {  	_ = 	snop  }
0x124: {  	[tilespmem:s15], [sflag:$0x7] =	stream.indirect_vreg.gather [hbm4b:s5+s3], $0x80, v2, vm0, $0xb8;
	[tilespmem:$0x10200] =	vst v63  }
0x125: {  	s30 =	simm.s32 $0xD200  }
0x126: {  	[tilespmem:s30], [sflag:$0x7] =	stream.indirect_vreg.gather [hbm4b:s6+s3], $0x80, v2, vm0, $0xb8;
	[tilespmem:$0x10200] =	vst v63  }
0x127: {  	s4 =	simm.s32 $0xB0;
	s31 =	simm.s32 $0xDA00;
	s10 =	simm.s32 $0x0  }
0x128: {  	[tilespmem:s31], [sflag:$0x7] =	stream.indirect_vreg.gather [hbm4b:s8+s3], $0x80, v2, vm0, $0xb8;
	[tilespmem:$0x10200] =	vst v63  }
.LBB2_2:
0x129: {  	s0 =	simm.s32 $0x1  }
0x12a: {  	_ =	swait.ge [sflag:s0], $0x2000  }
0x12b: {  	s26 =	rddreg [dreg:$0x4]  }
0x12c: {  	[sflag:s0] =	ssyncset.done $0x0;
	s26 =	sadd.s32 s10, s26  }
0x12d: {  	s13 =	simm.s32 $0x200;
	[sflag:s0] =	ssyncadd.s32 $0xFFFFE000;
	s31 =	sadd.s32 $0x2000, s26  }
0x12e: {  	[hbm4b:s31+s3] =	stream.linear.scatter [tilespmem:s13], [sflag:$0x9], $0x2000, $0x38;
	[tilespmem:$0x10200] =	vst v63  }
0x12f: {  	_ =	swait.ge [sflag:s2], $0x2000  }
0x130: {  	[sflag:s2] =	ssyncset.done $0x0  }
0x131: {  	[sflag:s2] =	ssyncadd.s32 $0xFFFFE000  }
0x132: {  	v2 =	vld.msk [tilespmem:s4+$0xFFFFFFC8], $0xff;
	_ =	sdelay $0x4  }
0x133: {  	v3 =	vshll.u32 v2, $0x3  }
0x134: {  	v2 =	vand.u32 $0x7, v2;
	v3 =	vand.u32 $0xFFFFFFC0, v3  }
0x135: {  	v2 =	vor.u32 v2, v3  }
0x136: {  	v2 =	vperm.xlane v2, v0;
	_ =	sdelay $0x1  }
0x137: {  	v2 =	vadd.s32 v1, v2;
	_ =	sdelay $0x3  }
0x138: {  	s16 =	simm.s32 $0xE200  }
0x139: {  	[tilespmem:s16], [sflag:$0x8] =	stream.indirect_vreg.gather [hbm4b:s1+s3], $0x80, v2, vm0, $0xb8;
	[tilespmem:$0x10200] =	vst v63  }
0x13a: {  	s9 =	simm.s32 $0xEA00  }
0x13b: {  	[tilespmem:s9], [sflag:$0x8] =	stream.indirect_vreg.gather [hbm4b:s5+s3], $0x80, v2, vm0, $0xb8;
	[tilespmem:$0x10200] =	vst v63  }
0x13c: {  	s11 =	simm.s32 $0xF200  }
0x13d: {  	[tilespmem:s11], [sflag:$0x8] =	stream.indirect_vreg.gather [hbm4b:s6+s3], $0x80, v2, vm0, $0xb8;
	[tilespmem:$0x10200] =	vst v63  }
0x13e: {  	s12 =	simm.s32 $0xFA00;
	s14 =	simm.s32 $0x2  }
0x13f: {  	[tilespmem:s12], [sflag:$0x8] =	stream.indirect_vreg.gather [hbm4b:s8+s3], $0x80, v2, vm0, $0xb8;
	[tilespmem:$0x10200] =	vst v63  }
0x140: {  	_ =	swait.ge [sflag:s14], $0x2000  }
0x141: {  	s15 =	simm.s32 $0x2200;
	[sflag:s14] =	ssyncset.done $0x0  }
0x142: {  	s7 =	simm.s32 $0x9;
	s31 =	sadd.s32 $0x2400, s26;
	[sflag:s14] =	ssyncadd.s32 $0xFFFFE000  }
0x143: {  	[hbm4b:s31+s3] =	stream.linear.scatter [tilespmem:s15], [sflag:$0xA], $0x2000, $0x38;
	[tilespmem:$0x10200] =	vst v63  }
0x144: {  	_ =	swait.ge [sflag:s7], $0x2000  }
0x145: {  	[sflag:s7] =	ssyncset.done $0x0  }
0x146: {  	[sflag:s7] =	ssyncadd.s32 $0xFFFFE000  }
0x147: {  	v2 =	vld.msk [tilespmem:s4+$0xFFFFFFD0], $0xff;
	_ =	sdelay $0x4  }
0x148: {  	v3 =	vshll.u32 v2, $0x3  }
0x149: {  	v2 =	vand.u32 $0x7, v2;
	v3 =	vand.u32 $0xFFFFFFC0, v3  }
0x14a: {  	v2 =	vor.u32 v2, v3  }
0x14b: {  	v2 =	vperm.xlane v2, v0;
	_ =	sdelay $0x1  }
0x14c: {  	v2 =	vadd.s32 v1, v2;
	_ =	sdelay $0x4  }
0x14d: {  	[tilespmem:s13], [sflag:$0x1] =	stream.indirect_vreg.gather [hbm4b:s1+s3], $0x80, v2, vm0, $0xb8;
	[tilespmem:$0x10200] =	vst v63  }
0x14e: {  	s13 =	simm.s32 $0xA00  }
0x14f: {  	[tilespmem:s13], [sflag:$0x1] =	stream.indirect_vreg.gather [hbm4b:s5+s3], $0x80, v2, vm0, $0xb8;
	[tilespmem:$0x10200] =	vst v63  }
0x150: {  	s17 =	simm.s32 $0x1200  }
0x151: {  	[tilespmem:s17], [sflag:$0x1] =	stream.indirect_vreg.gather [hbm4b:s6+s3], $0x80, v2, vm0, $0xb8;
	[tilespmem:$0x10200] =	vst v63  }
0x152: {  	s18 =	simm.s32 $0x1A00;
	s21 =	simm.s32 $0x3  }
0x153: {  	[tilespmem:s18], [sflag:$0x1] =	stream.indirect_vreg.gather [hbm4b:s8+s3], $0x80, v2, vm0, $0xb8;
	[tilespmem:$0x10200] =	vst v63  }
0x154: {  	_ =	swait.ge [sflag:s21], $0x2000  }
0x155: {  	s11 =	simm.s32 $0xA;
	[sflag:s21] =	ssyncset.done $0x0  }
0x156: {  	s31 =	sadd.s32 $0x2800, s26;
	s17 =	simm.s32 $0x4200;
	[sflag:s21] =	ssyncadd.s32 $0xFFFFE000  }
0x157: {  	[hbm4b:s31+s3] =	stream.linear.scatter [tilespmem:s17], [sflag:$0xB], $0x2000, $0x38;
	[tilespmem:$0x10200] =	vst v63  }
0x158: {  	_ =	swait.ge [sflag:s11], $0x2000  }
0x159: {  	[sflag:s11] =	ssyncset.done $0x0  }
0x15a: {  	[sflag:s11] =	ssyncadd.s32 $0xFFFFE000  }
0x15b: {  	v2 =	vld.msk [tilespmem:s4+$0xFFFFFFD8], $0xff;
	_ =	sdelay $0x4  }
0x15c: {  	v3 =	vshll.u32 v2, $0x3  }
0x15d: {  	v2 =	vand.u32 $0x7, v2;
	v3 =	vand.u32 $0xFFFFFFC0, v3  }
0x15e: {  	v2 =	vor.u32 v2, v3  }
0x15f: {  	v2 =	vperm.xlane v2, v0;
	_ =	sdelay $0x1  }
0x160: {  	v2 =	vadd.s32 v1, v2;
	_ =	sdelay $0x4  }
0x161: {  	[tilespmem:s15], [sflag:$0x2] =	stream.indirect_vreg.gather [hbm4b:s1+s3], $0x80, v2, vm0, $0xb8;
	[tilespmem:$0x10200] =	vst v63  }
0x162: {  	s0 =	simm.s32 $0x2A00  }
0x163: {  	[tilespmem:s0], [sflag:$0x2] =	stream.indirect_vreg.gather [hbm4b:s5+s3], $0x80, v2, vm0, $0xb8;
	[tilespmem:$0x10200] =	vst v63  }
0x164: {  	s11 =	simm.s32 $0x3200  }
0x165: {  	[tilespmem:s11], [sflag:$0x2] =	stream.indirect_vreg.gather [hbm4b:s6+s3], $0x80, v2, vm0, $0xb8;
	[tilespmem:$0x10200] =	vst v63  }
0x166: {  	s12 =	simm.s32 $0x3A00;
	s14 =	simm.s32 $0x4  }
0x167: {  	[tilespmem:s12], [sflag:$0x2] =	stream.indirect_vreg.gather [hbm4b:s8+s3], $0x80, v2, vm0, $0xb8;
	[tilespmem:$0x10200] =	vst v63  }
0x168: {  	_ =	swait.ge [sflag:s14], $0x2000  }
0x169: {  	s30 =	simm.s32 $0x6200;
	[sflag:s14] =	ssyncset.done $0x0  }
0x16a: {  	s31 =	sadd.s32 $0x2C00, s26;
	s15 =	simm.s32 $0xB;
	[sflag:s14] =	ssyncadd.s32 $0xFFFFE000  }
0x16b: {  	[hbm4b:s31+s3] =	stream.linear.scatter [tilespmem:s30], [sflag:$0xC], $0x2000, $0x38;
	[tilespmem:$0x10200] =	vst v63  }
0x16c: {  	_ =	swait.ge [sflag:s15], $0x2000  }
0x16d: {  	[sflag:s15] =	ssyncset.done $0x0  }
0x16e: {  	[sflag:s15] =	ssyncadd.s32 $0xFFFFE000  }
0x16f: {  	v2 =	vld.msk [tilespmem:s4+$0xFFFFFFE0], $0xff;
	_ =	sdelay $0x4  }
0x170: {  	v3 =	vshll.u32 v2, $0x3  }
0x171: {  	v2 =	vand.u32 $0x7, v2;
	v3 =	vand.u32 $0xFFFFFFC0, v3  }
0x172: {  	v2 =	vor.u32 v2, v3  }
0x173: {  	v2 =	vperm.xlane v2, v0;
	_ =	sdelay $0x1  }
0x174: {  	v2 =	vadd.s32 v1, v2;
	_ =	sdelay $0x4  }
0x175: {  	[tilespmem:s17], [sflag:$0x3] =	stream.indirect_vreg.gather [hbm4b:s1+s3], $0x80, v2, vm0, $0xb8;
	[tilespmem:$0x10200] =	vst v63  }
0x176: {  	s17 =	simm.s32 $0x4A00  }
0x177: {  	[tilespmem:s17], [sflag:$0x3] =	stream.indirect_vreg.gather [hbm4b:s5+s3], $0x80, v2, vm0, $0xb8;
	[tilespmem:$0x10200] =	vst v63  }
0x178: {  	s18 =	simm.s32 $0x5200  }
0x179: {  	[tilespmem:s18], [sflag:$0x3] =	stream.indirect_vreg.gather [hbm4b:s6+s3], $0x80, v2, vm0, $0xb8;
	[tilespmem:$0x10200] =	vst v63  }
0x17a: {  	s12 =	simm.s32 $0x5A00  }
0x17b: {  	[tilespmem:s12], [sflag:$0x3] =	stream.indirect_vreg.gather [hbm4b:s8+s3], $0x80, v2, vm0, $0xb8;
	[tilespmem:$0x10200] =	vst v63  }
0x17c: {  	_ =	swait.ge [sflag:s19], $0x2000  }
0x17d: {  	[sflag:s19] =	ssyncset.done $0x0  }
0x17e: {  	s31 =	sadd.s32 $0x3000, s26;
	s12 =	simm.s32 $0x8200;
	[sflag:s19] =	ssyncadd.s32 $0xFFFFE000  }
0x17f: {  	[hbm4b:s31+s3] =	stream.linear.scatter [tilespmem:s12], [sflag:$0xD], $0x2000, $0x38;
	[tilespmem:$0x10200] =	vst v63  }
0x180: {  	_ =	swait.ge [sflag:s20], $0x2000  }
0x181: {  	[sflag:s20] =	ssyncset.done $0x0  }
0x182: {  	[sflag:s20] =	ssyncadd.s32 $0xFFFFE000  }
0x183: {  	v2 =	vld.msk [tilespmem:s4+$0xFFFFFFE8], $0xff;
	_ =	sdelay $0x4  }
0x184: {  	v3 =	vshll.u32 v2, $0x3  }
0x185: {  	v2 =	vand.u32 $0x7, v2;
	v3 =	vand.u32 $0xFFFFFFC0, v3  }
0x186: {  	v2 =	vor.u32 v2, v3  }
0x187: {  	v2 =	vperm.xlane v2, v0;
	_ =	sdelay $0x1  }
0x188: {  	v2 =	vadd.s32 v1, v2;
	_ =	sdelay $0x4  }
0x189: {  	[tilespmem:s30], [sflag:$0x4] =	stream.indirect_vreg.gather [hbm4b:s1+s3], $0x80, v2, vm0, $0xb8;
	[tilespmem:$0x10200] =	vst v63  }
0x18a: {  	s30 =	simm.s32 $0x6A00  }
0x18b: {  	[tilespmem:s30], [sflag:$0x4] =	stream.indirect_vreg.gather [hbm4b:s5+s3], $0x80, v2, vm0, $0xb8;
	[tilespmem:$0x10200] =	vst v63  }
0x18c: {  	s14 =	simm.s32 $0x7200  }
0x18d: {  	[tilespmem:s14], [sflag:$0x4] =	stream.indirect_vreg.gather [hbm4b:s6+s3], $0x80, v2, vm0, $0xb8;
	[tilespmem:$0x10200] =	vst v63  }
0x18e: {  	s15 =	simm.s32 $0x7A00  }
0x18f: {  	[tilespmem:s15], [sflag:$0x4] =	stream.indirect_vreg.gather [hbm4b:s8+s3], $0x80, v2, vm0, $0xb8;
	[tilespmem:$0x10200] =	vst v63  }
0x190: {  	_ =	swait.ge [sflag:s22], $0x2000  }
0x191: {  	[sflag:s22] =	ssyncset.done $0x0  }
0x192: {  	s31 =	sadd.s32 $0x3400, s26;
	s14 =	simm.s32 $0xA200;
	[sflag:s22] =	ssyncadd.s32 $0xFFFFE000  }
0x193: {  	[hbm4b:s31+s3] =	stream.linear.scatter [tilespmem:s14], [sflag:$0xE], $0x2000, $0x38;
	[tilespmem:$0x10200] =	vst v63  }
0x194: {  	_ =	swait.ge [sflag:s23], $0x2000  }
0x195: {  	[sflag:s23] =	ssyncset.done $0x0  }
0x196: {  	[sflag:s23] =	ssyncadd.s32 $0xFFFFE000  }
0x197: {  	v2 =	vld.msk [tilespmem:s4+$0xFFFFFFF0], $0xff;
	_ =	sdelay $0x4  }
0x198: {  	v3 =	vshll.u32 v2, $0x3  }
0x199: {  	v2 =	vand.u32 $0x7, v2;
	v3 =	vand.u32 $0xFFFFFFC0, v3  }
0x19a: {  	v2 =	vor.u32 v2, v3  }
0x19b: {  	v2 =	vperm.xlane v2, v0;
	_ =	sdelay $0x1  }
0x19c: {  	v2 =	vadd.s32 v1, v2;
	_ =	sdelay $0x4  }
0x19d: {  	[tilespmem:s12], [sflag:$0x5] =	stream.indirect_vreg.gather [hbm4b:s1+s3], $0x80, v2, vm0, $0xb8;
	[tilespmem:$0x10200] =	vst v63  }
0x19e: {  	s12 =	simm.s32 $0x8A00  }
0x19f: {  	[tilespmem:s12], [sflag:$0x5] =	stream.indirect_vreg.gather [hbm4b:s5+s3], $0x80, v2, vm0, $0xb8;
	[tilespmem:$0x10200] =	vst v63  }
0x1a0: {  	s15 =	simm.s32 $0x9200  }
0x1a1: {  	[tilespmem:s15], [sflag:$0x5] =	stream.indirect_vreg.gather [hbm4b:s6+s3], $0x80, v2, vm0, $0xb8;
	[tilespmem:$0x10200] =	vst v63  }
0x1a2: {  	s18 =	simm.s32 $0x9A00  }
0x1a3: {  	[tilespmem:s18], [sflag:$0x5] =	stream.indirect_vreg.gather [hbm4b:s8+s3], $0x80, v2, vm0, $0xb8;
	[tilespmem:$0x10200] =	vst v63  }
0x1a4: {  	_ =	swait.ge [sflag:s24], $0x2000  }
0x1a5: {  	[sflag:s24] =	ssyncset.done $0x0  }
0x1a6: {  	s31 =	sadd.s32 $0x3800, s26;
	s15 =	simm.s32 $0xC200;
	[sflag:s24] =	ssyncadd.s32 $0xFFFFE000  }
0x1a7: {  	[hbm4b:s31+s3] =	stream.linear.scatter [tilespmem:s15], [sflag:$0xF], $0x2000, $0x38;
	[tilespmem:$0x10200] =	vst v63  }
0x1a8: {  	_ =	swait.ge [sflag:s25], $0x2000  }
0x1a9: {  	[sflag:s25] =	ssyncset.done $0x0  }
0x1aa: {  	[sflag:s25] =	ssyncadd.s32 $0xFFFFE000  }
0x1ab: {  	v2 =	vld.msk [tilespmem:s4+$0xFFFFFFF8], $0xff;
	_ =	sdelay $0x4  }
0x1ac: {  	v3 =	vshll.u32 v2, $0x3  }
0x1ad: {  	v2 =	vand.u32 $0x7, v2;
	v3 =	vand.u32 $0xFFFFFFC0, v3  }
0x1ae: {  	v2 =	vor.u32 v2, v3  }
0x1af: {  	v2 =	vperm.xlane v2, v0;
	_ =	sdelay $0x1  }
0x1b0: {  	v2 =	vadd.s32 v1, v2;
	_ =	sdelay $0x4  }
0x1b1: {  	[tilespmem:s14], [sflag:$0x6] =	stream.indirect_vreg.gather [hbm4b:s1+s3], $0x80, v2, vm0, $0xb8;
	[tilespmem:$0x10200] =	vst v63  }
0x1b2: {  	s14 =	simm.s32 $0xAA00  }
0x1b3: {  	[tilespmem:s14], [sflag:$0x6] =	stream.indirect_vreg.gather [hbm4b:s5+s3], $0x80, v2, vm0, $0xb8;
	[tilespmem:$0x10200] =	vst v63  }
0x1b4: {  	s18 =	simm.s32 $0xB200  }
0x1b5: {  	[tilespmem:s18], [sflag:$0x6] =	stream.indirect_vreg.gather [hbm4b:s6+s3], $0x80, v2, vm0, $0xb8;
	[tilespmem:$0x10200] =	vst v63  }
0x1b6: {  	s18 =	simm.s32 $0xBA00  }
0x1b7: {  	[tilespmem:s18], [sflag:$0x6] =	stream.indirect_vreg.gather [hbm4b:s8+s3], $0x80, v2, vm0, $0xb8;
	[tilespmem:$0x10200] =	vst v63  }
0x1b8: {  	_ =	swait.ge [sflag:s28], $0x2000  }
0x1b9: {  	[sflag:s28] =	ssyncset.done $0x0  }
0x1ba: {  	s26 =	sadd.s32 $0x3C00, s26;
	[sflag:s28] =	ssyncadd.s32 $0xFFFFE000  }
0x1bb: {  	[hbm4b:s26+s3] =	stream.linear.scatter [tilespmem:s16], [sflag:$0x10], $0x2000, $0x38;
	[tilespmem:$0x10200] =	vst v63  }
0x1bc: {  	_ =	swait.ge [sflag:s29], $0x2000  }
0x1bd: {  	[sflag:s29] =	ssyncset.done $0x0  }
0x1be: {  	[sflag:s29] =	ssyncadd.s32 $0xFFFFE000  }
0x1bf: {  	v2 =	vld.msk [tilespmem:s4+$0x0], $0xff;
	_ =	sdelay $0x4  }
0x1c0: {  	v3 =	vshll.u32 v2, $0x3  }
0x1c1: {  	v2 =	vand.u32 $0x7, v2;
	v3 =	vand.u32 $0xFFFFFFC0, v3  }
0x1c2: {  	v2 =	vor.u32 v2, v3  }
0x1c3: {  	v2 =	vperm.xlane v2, v0;
	_ =	sdelay $0x1  }
0x1c4: {  	v2 =	vadd.s32 v1, v2;
	_ =	sdelay $0x3  }
0x1c5: {  	p0 =	sne.s32 s10, $0xA000;
	s10 =	sadd.s32 $0x2000, s10  }
0x1c6: {  	[tilespmem:s15], [sflag:$0x7] =	stream.indirect_vreg.gather [hbm4b:s1+s3], $0x80, v2, vm0, $0xb8;
	[tilespmem:$0x10200] =	vst v63  }
0x1c7: {  	s9 =	simm.s32 $0x200;
	s7 =	simm.s32 $0x2200;
	s15 =	simm.s32 $0xCA00  }
0x1c8: {  	[tilespmem:s15], [sflag:$0x7] =	stream.indirect_vreg.gather [hbm4b:s5+s3], $0x80, v2, vm0, $0xb8;
	[tilespmem:$0x10200] =	vst v63  }
.Ltmp0:
0x1c9: {  	s21 =	simm.s32 $0x4200;
	s11 =	simm.s32 $0x8200;
	(pc) =	sbr.rel @p0 .LBB2_2-.Ltmp0, $4  }
0x1ca: {  	s17 =	simm.s32 $0x6200;
	s31 =	simm.s32 $0xA200;
	s18 =	simm.s32 $0xD200  }
0x1cb: {  	[tilespmem:s18], [sflag:$0x7] =	stream.indirect_vreg.gather [hbm4b:s6+s3], $0x80, v2, vm0, $0xb8;
	[tilespmem:$0x10200] =	vst v63  }
0x1cc: {  	s26 =	simm.s32 $0xC200;
	s4 =	sadd.s32 $0x40, s4;
	s18 =	simm.s32 $0xDA00  }
0x1cd: {  	[tilespmem:s18], [sflag:$0x7] =	stream.indirect_vreg.gather [hbm4b:s8+s3], $0x80, v2, vm0, $0xb8;
	[tilespmem:$0x10200] =	vst v63  }
0x1ce: {  	s4 =	simm.s32 $0x1  }
0x1cf: {  	_ =	swait.ge [sflag:s4], $0x2000  }
0x1d0: {  	[sflag:s4] =	ssyncset.done $0x0  }
0x1d1: {  	s10 =	rddreg [dreg:$0xe];
	[sflag:s4] =	ssyncadd.s32 $0xFFFFE000  }
0x1d2: {  	[hbm4b:s10+s3] =	stream.linear.scatter [tilespmem:s9], [sflag:$0x9], $0x2000, $0x38;
	[tilespmem:$0x10200] =	vst v63  }
0x1d3: {  	_ =	swait.ge [sflag:s2], $0x2000  }
0x1d4: {  	[sflag:s2] =	ssyncset.done $0x0  }
0x1d5: {  	[sflag:s2] =	ssyncadd.s32 $0xFFFFE000  }
0x1d6: {  	v2 =	vld.msk [tilespmem:$0x1F8], $0xff;
	_ =	sdelay $0x4  }
0x1d7: {  	v3 =	vshll.u32 v2, $0x3  }
0x1d8: {  	v2 =	vand.u32 $0x7, v2;
	v3 =	vand.u32 $0xFFFFFFC0, v3  }
0x1d9: {  	v2 =	vor.u32 v2, v3  }
0x1da: {  	v2 =	vperm.xlane v2, v0;
	_ =	sdelay $0x1  }
0x1db: {  	v2 =	vadd.s32 v1, v2;
	_ =	sdelay $0x3  }
0x1dc: {  	s9 =	simm.s32 $0xE200  }
0x1dd: {  	[tilespmem:s9], [sflag:$0x8] =	stream.indirect_vreg.gather [hbm4b:s1+s3], $0x80, v2, vm0, $0xb8;
	[tilespmem:$0x10200] =	vst v63  }
0x1de: {  	s16 =	simm.s32 $0xEA00  }
0x1df: {  	[tilespmem:s16], [sflag:$0x8] =	stream.indirect_vreg.gather [hbm4b:s5+s3], $0x80, v2, vm0, $0xb8;
	[tilespmem:$0x10200] =	vst v63  }
0x1e0: {  	s18 =	simm.s32 $0xF200  }
0x1e1: {  	[tilespmem:s18], [sflag:$0x8] =	stream.indirect_vreg.gather [hbm4b:s6+s3], $0x80, v2, vm0, $0xb8;
	[tilespmem:$0x10200] =	vst v63  }
0x1e2: {  	s10 =	simm.s32 $0xFA00;
	s16 =	simm.s32 $0x2  }
0x1e3: {  	[tilespmem:s10], [sflag:$0x8] =	stream.indirect_vreg.gather [hbm4b:s8+s3], $0x80, v2, vm0, $0xb8;
	[tilespmem:$0x10200] =	vst v63  }
0x1e4: {  	_ =	swait.ge [sflag:s16], $0x2000  }
0x1e5: {  	[sflag:s16] =	ssyncset.done $0x0  }
0x1e6: {  	s18 =	rddreg [dreg:$0xf];
	[sflag:s16] =	ssyncadd.s32 $0xFFFFE000  }
0x1e7: {  	[hbm4b:s18+s3] =	stream.linear.scatter [tilespmem:s7], [sflag:$0xA], $0x2000, $0x38;
	[tilespmem:$0x10200] =	vst v63  }
0x1e8: {  	s7 =	simm.s32 $0x9  }
0x1e9: {  	_ =	swait.ge [sflag:s7], $0x2000  }
0x1ea: {  	[sflag:s7] =	ssyncset.done $0x0  }
0x1eb: {  	s10 =	simm.s32 $0x3;
	[sflag:s7] =	ssyncadd.s32 $0xFFFFE000  }
0x1ec: {  	_ =	swait.ge [sflag:s10], $0x2000  }
0x1ed: {  	[sflag:s10] =	ssyncset.done $0x0  }
0x1ee: {  	s18 =	simm.s32 $0xA;
	s16 =	rddreg [dreg:$0x10];
	[sflag:s10] =	ssyncadd.s32 $0xFFFFE000  }
0x1ef: {  	[hbm4b:s16+s3] =	stream.linear.scatter [tilespmem:s21], [sflag:$0xB], $0x2000, $0x38;
	[tilespmem:$0x10200] =	vst v63  }
0x1f0: {  	_ =	swait.ge [sflag:s18], $0x2000  }
0x1f1: {  	[sflag:s18] =	ssyncset.done $0x0  }
0x1f2: {  	s21 =	simm.s32 $0x4;
	[sflag:s18] =	ssyncadd.s32 $0xFFFFE000  }
0x1f3: {  	_ =	swait.ge [sflag:s21], $0x2000  }
0x1f4: {  	[sflag:s21] =	ssyncset.done $0x0  }
0x1f5: {  	s10 =	simm.s32 $0xB;
	s7 =	rddreg [dreg:$0x11];
	[sflag:s21] =	ssyncadd.s32 $0xFFFFE000  }
0x1f6: {  	[hbm4b:s7+s3] =	stream.linear.scatter [tilespmem:s17], [sflag:$0xC], $0x2000, $0x38;
	[tilespmem:$0x10200] =	vst v63  }
0x1f7: {  	_ =	swait.ge [sflag:s10], $0x2000  }
0x1f8: {  	[sflag:s10] =	ssyncset.done $0x0  }
0x1f9: {  	[sflag:s10] =	ssyncadd.s32 $0xFFFFE000  }
0x1fa: {  	_ =	swait.ge [sflag:s19], $0x2000  }
0x1fb: {  	[sflag:s19] =	ssyncset.done $0x0  }
0x1fc: {  	s16 =	rddreg [dreg:$0x12];
	[sflag:s19] =	ssyncadd.s32 $0xFFFFE000  }
0x1fd: {  	[hbm4b:s16+s3] =	stream.linear.scatter [tilespmem:s11], [sflag:$0xD], $0x2000, $0x38;
	[tilespmem:$0x10200] =	vst v63  }
0x1fe: {  	_ =	swait.ge [sflag:s20], $0x2000  }
0x1ff: {  	[sflag:s20] =	ssyncset.done $0x0  }
0x200: {  	[sflag:s20] =	ssyncadd.s32 $0xFFFFE000  }
0x201: {  	_ =	swait.ge [sflag:s22], $0x2000  }
0x202: {  	[sflag:s22] =	ssyncset.done $0x0  }
0x203: {  	s17 =	rddreg [dreg:$0x13];
	[sflag:s22] =	ssyncadd.s32 $0xFFFFE000  }
0x204: {  	[hbm4b:s17+s3] =	stream.linear.scatter [tilespmem:s31], [sflag:$0xE], $0x2000, $0x38;
	[tilespmem:$0x10200] =	vst v63  }
0x205: {  	_ =	swait.ge [sflag:s23], $0x2000  }
0x206: {  	[sflag:s23] =	ssyncset.done $0x0  }
0x207: {  	[sflag:s23] =	ssyncadd.s32 $0xFFFFE000  }
0x208: {  	_ =	swait.ge [sflag:s24], $0x2000  }
0x209: {  	[sflag:s24] =	ssyncset.done $0x0  }
0x20a: {  	s18 =	rddreg [dreg:$0x14];
	[sflag:s24] =	ssyncadd.s32 $0xFFFFE000  }
0x20b: {  	[hbm4b:s18+s3] =	stream.linear.scatter [tilespmem:s26], [sflag:$0xF], $0x2000, $0x38;
	[tilespmem:$0x10200] =	vst v63  }
0x20c: {  	_ =	swait.ge [sflag:s25], $0x2000  }
0x20d: {  	[sflag:s25] =	ssyncset.done $0x0  }
0x20e: {  	[sflag:s25] =	ssyncadd.s32 $0xFFFFE000  }
0x20f: {  	_ =	swait.ge [sflag:s28], $0x2000  }
0x210: {  	[sflag:s28] =	ssyncset.done $0x0  }
0x211: {  	s21 =	rddreg [dreg:$0x15];
	[sflag:s28] =	ssyncadd.s32 $0xFFFFE000  }
0x212: {  	[hbm4b:s21+s3] =	stream.linear.scatter [tilespmem:s9], [sflag:$0x10], $0x2000, $0x38;
	[tilespmem:$0x10200] =	vst v63  }
0x213: {  	_ =	swait.ge [sflag:s29], $0x2000  }
0x214: {  	[sflag:s29] =	ssyncset.done $0x0  }
0x215: {  	[sflag:s29] =	ssyncadd.s32 $0xFFFFE000  }
0x216: {  	_ =	swait.ge [sflag:s2], $0x2000  }
0x217: {  	s26 =	rddreg [dreg:$0x17]  }
0x218: {  	s31 =	rddreg [dreg:$0x16];
	s7 =	sadd.s32 $0x1, s26  }
0x219: {  	p0 =	sne.s32 s7, s31  }
.Ltmp1:
0x21a: {  	_ = 	snop;
	(pc) =	sbr.rel @p0 .LBB2_1-.Ltmp1, $4  }
0x21b: {  	_ = 	snop  }
0x21c: {  	s10 =	simm.s32 $0x1200  }
0x21d: {  	s11 =	simm.s32 $0x9200;
	s17 =	simm.s32 $0x1A00;
	[sflag:s2] =	ssyncset.done $0x0  }
0x21e: {  	s21 =	simm.s32 $0x3200;
	[sflag:s2] =	ssyncadd.s32 $0xFFFFE000;
	s26 =	simm.s32 $0x3A00  }
0x21f: {  	_ =	sfence.sel $0x180000  }
0x220: {  	[bflag:$0x0] =	sbarrier.arrive $0xFFFF  }
0x221: {  	_ =	strace $0x90000047  }
0x222: {  	s0 =	stileid.u32;
	[bflag:$0x2] =	sbarrier.arrive $0xFFFF  }
0x223: {  	p0 =	sne.s32 s0, $0x0;
	s0 =	rddreg [dreg:$0x3]  }
0x224: {  	s0 =	sadd.s32 @!p0 $0x100000, s0  }
0x225: {  	[sflag:s0] =	ssyncadd.tile.s32 @!p0 $0x1;
	_ =	shalt  }
.Lfunc_end2:
_tile_overlayer_lowered:
.L_overlay_start_2:
0x226: {  	(tag) =	ssettag $0x2  }
0x227: {  	s0 =	rddreg [dreg:$0x0];
	s2 =	stileid.u32  }
0x228: {  	s1 =	rddreg [dreg:$0x1];
	p0 =	sne.s32 s2, $0x0  }
0x229: {  	s3 =	rddreg [dreg:$0x2];
	[bflag:$0x3] =	sbarrier.arrive $0xFFFF;
	s2 =	simm.s32 @!p0 $0x1C11  }
0x22a: {  	[timem:s3], [sflag:s2] =	dma.local @!p0 [hbm:s0], s1  }
0x22b: {  	s0 =	simm.s32 @!p0 $0x11  }
0x22c: {  	_ =	swait.ge @!p0 [sflag:s0], s1  }
0x22d: {  	s1 =	ssub.s32 @!p0 $0x0, s1;
	[sflag:s0] =	ssyncset.done @!p0 $0x0  }
0x22e: {  	[sflag:s0] =	ssyncadd.s32 @!p0 s1  }
0x22f: {  	[bflag:$0x3] =	sbarrier.arrive $0xFFFF  }
0x230: {  	_ =	shalt  }

</sc_bundles>
